<compile_context>
chip_gen: v7x
topology: tpu7x:2x2x1
jax: 0.10.2.dev20260603
libtpu: 0.0.44.dev20260713+nightly
codegen_flags: <defaults>
</compile_context>

<pallas_src>
import functools

import jax
import jax.numpy as jnp
from jax import lax
from jax.experimental import pallas as pl
from jax.experimental.pallas import tpu as pltpu
from jax.experimental.pallas import tpu_sc as plsc

HID = 128
NC = 2
NS = 16
NW = NC * NS
CH = 128
NBUF = 5
LEAD = 3


def _make_gather(n_total):
    n_per_w = n_total // NW
    nch = n_per_w // CH
    assert nch % NBUF == 0 and nch >= 2 * NBUF
    mesh = plsc.VectorSubcoreMesh(core_axis_name="c", subcore_axis_name="s")

    scratch = [
        pltpu.VMEM((nch, CH), jnp.int32),
        pltpu.VMEM((NBUF, CH, HID), jnp.float32),
    ] + [pltpu.SemaphoreType.DMA] * (2 * NBUF)

    @functools.partial(
        pl.kernel,
        mesh=mesh,
        out_type=jax.ShapeDtypeStruct((NW, nch, CH, HID), jnp.float32),
        scratch_types=scratch,
    )
    def k(table_hbm, idx_hbm, out_hbm, idx_v, rows_v, *sems):
        gsem, osem = sems[:NBUF], sems[NBUF:]
        wid = lax.axis_index("s") * NC + lax.axis_index("c")
        pltpu.sync_copy(idx_hbm.at[wid], idx_v)

        def gather(j, b):
            return pltpu.make_async_copy(
                table_hbm.at[idx_v.at[j]], rows_v.at[b], gsem[b])

        def store(j, b):
            return pltpu.make_async_copy(
                rows_v.at[b], out_hbm.at[wid, j], osem[b])

        nh = nch // 2

        def slot(j, b, do_gstart=True, do_owait=True):
            gather(j, b).wait()
            if do_gstart:
                gather(j + LEAD, (b + LEAD) % NBUF).start()
            store(nh + j, b).start()
            if do_owait:
                store(nh + j - 2, (b - 2) % NBUF).wait()

        for b in range(LEAD):
            gather(b, b).start()

        for b in range(NBUF):
            slot(b, b, do_owait=(b >= 2))

        def body(g, carry):
            j0 = g * NBUF
            for b in range(NBUF):
                slot(j0 + b, b)
            return carry

        lax.fori_loop(1, nh // NBUF - 1, body, 0)

        j0 = nh - NBUF
        for b in range(NBUF):
            slot(j0 + b, b, do_gstart=(b + LEAD < NBUF))

        store(nh + nh - 2, (nh - 2) % NBUF).wait()
        store(nh + nh - 1, (nh - 1) % NBUF).wait()

    return k


def _tc_body(idx_ref, p_ref, out_ref):
    p_row = p_ref[...]
    for s in range(idx_ref.shape[2]):
        v_i = idx_ref[0, :, s:s + 1]
        v = v_i.astype(jnp.float32)
        angle = v / p_row
        even = (v_i % 2) == 0
        out_ref[s] = jnp.where(even, jnp.sin(angle), jnp.cos(angle))


def _tc_compute(idx_prep, p, blk):
    grid = idx_prep.shape[0]
    return pl.pallas_call(
        _tc_body,
        grid=(grid,),
        in_specs=[
            pl.BlockSpec((1, 128, blk), lambda g: (g, 0, 0)),
            pl.BlockSpec((1, HID), lambda g: (0, 0)),
        ],
        out_specs=pl.BlockSpec((blk, 128, HID), lambda g: (g, 0, 0)),
        out_shape=jax.ShapeDtypeStruct((grid * blk, 128, HID), jnp.float32),
    )(idx_prep, p)


def kernel(PE, i):
    n_total = i.shape[0] * i.shape[1]
    idx = i.reshape(NW, n_total // (NW * CH), CH)
    out = _make_gather(n_total)(PE, idx)
    return out.reshape(i.shape[0], i.shape[1], HID)

# --- scband reference (transcript-rebuilt; emitter-appended) ---
"""Pipeline reference for scband-sinusoidal-embedding-33492154974656 (READ-ONLY COPY).

The authoritative reference and input builder live on the scoring server;
editing this copy changes nothing except your own understanding.
"""

import jax, jax.numpy as jnp
import numpy as np

SIZE = 100000
HID = 128

def _build_pe():
    # Faithful vectorization of the torch double loop:
    #   PE[i, j] = sin(i / 10000**(2j/d)) if i % 2 == 0 else cos(i / 10000**(2j/d))
    # NOTE: the parity condition is on the ROW index i (per the original code),
    # and applies to every column j of that row.
    i = jnp.arange(SIZE, dtype=jnp.float32)[:, None]
    j = jnp.arange(HID, dtype=jnp.float32)[None, :]
    angle = i / jnp.power(10000.0, 2.0 * j / HID)
    row_is_even = (jnp.arange(SIZE)[:, None] % 2) == 0
    pe = jnp.where(row_is_even, jnp.sin(angle), jnp.cos(angle))
    return pe.astype(jnp.float32)

def setup_inputs(seed: int = 0) -> dict:
    key = jax.random.key(seed)
    i = jax.random.randint(key, (4096, 200), 0, SIZE, dtype=jnp.int32)
    PE = _build_pe()
    return {"PE": PE, "i": i}

def reference(PE, i):
    # forward: self.PE[i]  -> row gather from the sinusoidal table
    return jnp.take(PE, i, axis=0)

if __name__ == "__main__":
    import jax
    _d = setup_inputs()
    print(jax.jit(kernel)(*tuple(_d.values())))

</pallas_src>

<mosaic_0001>
#map = affine_map<(d0, d1) -> (0, 0)>
#map1 = affine_map<(d0, d1) -> (0, 0, 0)>
#map2 = affine_map<(d0, d1) -> (0, 0, 0, 0)>
module attributes {stable_mosaic.version = 14 : i64} {
  func.func @k(%arg0: i32, %arg1: i32, %arg2: memref<100000x128xf32, #tpu.memory_space<hbm>>, %arg3: memref<32x200x128xi32, #tpu.memory_space<hbm>>, %arg4: memref<32x200x128x128xf32, #tpu.memory_space<hbm>>, %arg5: memref<200x128xi32, #tpu.memory_space<vmem>>, %arg6: memref<5x128x128xf32, #tpu.memory_space<vmem>>, %arg7: memref<!tpu.dma_semaphore, #tpu.memory_space<semaphore_mem>>, %arg8: memref<!tpu.dma_semaphore, #tpu.memory_space<semaphore_mem>>, %arg9: memref<!tpu.dma_semaphore, #tpu.memory_space<semaphore_mem>>, %arg10: memref<!tpu.dma_semaphore, #tpu.memory_space<semaphore_mem>>, %arg11: memref<!tpu.dma_semaphore, #tpu.memory_space<semaphore_mem>>, %arg12: memref<!tpu.dma_semaphore, #tpu.memory_space<semaphore_mem>>, %arg13: memref<!tpu.dma_semaphore, #tpu.memory_space<semaphore_mem>>, %arg14: memref<!tpu.dma_semaphore, #tpu.memory_space<semaphore_mem>>, %arg15: memref<!tpu.dma_semaphore, #tpu.memory_space<semaphore_mem>>, %arg16: memref<!tpu.dma_semaphore, #tpu.memory_space<semaphore_mem>>) attributes {dimension_semantics = [#tpu.dimension_semantics<core_parallel>, #tpu.dimension_semantics<subcore_parallel>], iteration_bounds = array<i64: 2, 16>, scalar_prefetch = 0 : i64, scratch_operands = 12 : i64, tpu.core_type = #tpu.core_type<sc_vector_subcore>, window_params = [{transform_indices = #map}, {transform_indices = #map1}, {transform_indices = #map2}]} {
    %mul3A = arith.constant 2 : i32
    %mul3A_0 = arith.muli %arg1, %mul3A : i32
    %add3A = arith.addi %mul3A_0, %arg0 : i32
    "tpu.region"() ({
      %run_scoped3A = tpu.sem_alloc : memref<!tpu.dma_semaphore, #tpu.memory_space<semaphore_mem>>
      %dma_start3A_604 = arith.constant 0 : i32
      %dma_start3A_605 = arith.constant 0 : i32
      %dma_start3A_606 = tpu.memref_slice %arg3[%add3A, %dma_start3A_604, %dma_start3A_605] : memref<32x200x128xi32, #tpu.memory_space<hbm>> -> memref<1x200x128xi32, #tpu.memory_space<hbm>>
      %dma_start3A_607 = tpu.memref_squeeze %dma_start3A_606 : memref<1x200x128xi32, #tpu.memory_space<hbm>> -> memref<200x128xi32, #tpu.memory_space<hbm>>
      %dma_start3A_608 = arith.constant 0 : i32
      %dma_start3A_609 = arith.constant 0 : i32
      %dma_start3A_610 = tpu.memref_slice %arg3[%add3A, %dma_start3A_608, %dma_start3A_609] : memref<32x200x128xi32, #tpu.memory_space<hbm>> -> memref<1x200x128xi32, #tpu.memory_space<hbm>>
      %dma_start3A_611 = tpu.memref_squeeze %dma_start3A_610 : memref<1x200x128xi32, #tpu.memory_space<hbm>> -> memref<200x128xi32, #tpu.memory_space<hbm>>
      tpu.enqueue_dma source(%dma_start3A_611 : memref<200x128xi32, #tpu.memory_space<hbm>>) target(%arg5 : memref<200x128xi32, #tpu.memory_space<vmem>>) target_semaphore(%run_scoped3A : memref<!tpu.dma_semaphore, #tpu.memory_space<semaphore_mem>>)
      %dma_wait3A_612 = arith.constant 0 : i32
      %dma_wait3A_613 = arith.constant 0 : i32
      %dma_wait3A_614 = tpu.memref_slice %arg3[%add3A, %dma_wait3A_612, %dma_wait3A_613] : memref<32x200x128xi32, #tpu.memory_space<hbm>> -> memref<1x200x128xi32, #tpu.memory_space<hbm>>
      %dma_wait3A_615 = tpu.memref_squeeze %dma_wait3A_614 : memref<1x200x128xi32, #tpu.memory_space<hbm>> -> memref<200x128xi32, #tpu.memory_space<hbm>>
      %dma_wait3A_616 = arith.constant 0 : i32
      %dma_wait3A_617 = arith.constant 0 : i32
      %dma_wait3A_618 = tpu.memref_slice %arg3[%add3A, %dma_wait3A_616, %dma_wait3A_617] : memref<32x200x128xi32, #tpu.memory_space<hbm>> -> memref<1x200x128xi32, #tpu.memory_space<hbm>>
      %dma_wait3A_619 = tpu.memref_squeeze %dma_wait3A_618 : memref<1x200x128xi32, #tpu.memory_space<hbm>> -> memref<200x128xi32, #tpu.memory_space<hbm>>
      tpu.wait_dma2 semaphore(%run_scoped3A : memref<!tpu.dma_semaphore, #tpu.memory_space<semaphore_mem>>) src(%dma_wait3A_619 : memref<200x128xi32, #tpu.memory_space<hbm>>) dst(%arg5 : memref<200x128xi32, #tpu.memory_space<vmem>>)
      tpu.yield
    }) : () -> ()
    %dma_start3A = arith.constant 0 : i32
    %dma_start3A_1 = arith.constant 0 : i32
    %dma_start3A_2 = arith.constant 0 : i32
    %dma_start3A_3 = arith.constant 0 : i32
    %dma_start3A_4 = tpu.memref_slice %arg6[%dma_start3A_1, %dma_start3A_2, %dma_start3A_3] : memref<5x128x128xf32, #tpu.memory_space<vmem>> -> memref<1x128x128xf32, #tpu.memory_space<vmem>>
    %dma_start3A_5 = tpu.memref_squeeze %dma_start3A_4 : memref<1x128x128xf32, #tpu.memory_space<vmem>> -> memref<128x128xf32, #tpu.memory_space<vmem>>
    %dma_start3A_6 = arith.constant 0 : i32
    %dma_start3A_7 = tpu.memref_slice %arg5[%dma_start3A, %dma_start3A_6] : memref<200x128xi32, #tpu.memory_space<vmem>> -> memref<1x128xi32, #tpu.memory_space<vmem>>
    %dma_start3A_8 = tpu.memref_squeeze %dma_start3A_7 : memref<1x128xi32, #tpu.memory_space<vmem>> -> memref<128xi32, #tpu.memory_space<vmem>>
    %dma_start3A_9 = arith.constant 0 : i32
    %dma_start3A_10 = arith.constant 0 : i32
    %dma_start3A_11 = tpu.memref_slice %arg2[%dma_start3A_9, %dma_start3A_10] : memref<100000x128xf32, #tpu.memory_space<hbm>> -> memref<100000x128xf32, #tpu.memory_space<hbm>>
    tpu.enqueue_indirect_dma source(%dma_start3A_11 : memref<100000x128xf32, #tpu.memory_space<hbm>>) target(%dma_start3A_5 : memref<128x128xf32, #tpu.memory_space<vmem>>) offsets(%dma_start3A_8 : memref<128xi32, #tpu.memory_space<vmem>>) semaphore(%arg7 : memref<!tpu.dma_semaphore, #tpu.memory_space<semaphore_mem>>)
    %dma_start3A_12 = arith.constant 1 : i32
    %dma_start3A_13 = arith.constant 1 : i32
    %dma_start3A_14 = arith.constant 0 : i32
    %dma_start3A_15 = arith.constant 0 : i32
    %dma_start3A_16 = tpu.memref_slice %arg6[%dma_start3A_13, %dma_start3A_14, %dma_start3A_15] : memref<5x128x128xf32, #tpu.memory_space<vmem>> -> memref<1x128x128xf32, #tpu.memory_space<vmem>>
    %dma_start3A_17 = tpu.memref_squeeze %dma_start3A_16 : memref<1x128x128xf32, #tpu.memory_space<vmem>> -> memref<128x128xf32, #tpu.memory_space<vmem>>
    %dma_start3A_18 = arith.constant 0 : i32
    %dma_start3A_19 = tpu.memref_slice %arg5[%dma_start3A_12, %dma_start3A_18] : memref<200x128xi32, #tpu.memory_space<vmem>> -> memref<1x128xi32, #tpu.memory_space<vmem>>
    %dma_start3A_20 = tpu.memref_squeeze %dma_start3A_19 : memref<1x128xi32, #tpu.memory_space<vmem>> -> memref<128xi32, #tpu.memory_space<vmem>>
    %dma_start3A_21 = arith.constant 0 : i32
    %dma_start3A_22 = arith.constant 0 : i32
    %dma_start3A_23 = tpu.memref_slice %arg2[%dma_start3A_21, %dma_start3A_22] : memref<100000x128xf32, #tpu.memory_space<hbm>> -> memref<100000x128xf32, #tpu.memory_space<hbm>>
    tpu.enqueue_indirect_dma source(%dma_start3A_23 : memref<100000x128xf32, #tpu.memory_space<hbm>>) target(%dma_start3A_17 : memref<128x128xf32, #tpu.memory_space<vmem>>) offsets(%dma_start3A_20 : memref<128xi32, #tpu.memory_space<vmem>>) semaphore(%arg8 : memref<!tpu.dma_semaphore, #tpu.memory_space<semaphore_mem>>)
    %dma_start3A_24 = arith.constant 2 : i32
    %dma_start3A_25 = arith.constant 2 : i32
    %dma_start3A_26 = arith.constant 0 : i32
    %dma_start3A_27 = arith.constant 0 : i32
    %dma_start3A_28 = tpu.memref_slice %arg6[%dma_start3A_25, %dma_start3A_26, %dma_start3A_27] : memref<5x128x128xf32, #tpu.memory_space<vmem>> -> memref<1x128x128xf32, #tpu.memory_space<vmem>>
    %dma_start3A_29 = tpu.memref_squeeze %dma_start3A_28 : memref<1x128x128xf32, #tpu.memory_space<vmem>> -> memref<128x128xf32, #tpu.memory_space<vmem>>
    %dma_start3A_30 = arith.constant 0 : i32
    %dma_start3A_31 = tpu.memref_slice %arg5[%dma_start3A_24, %dma_start3A_30] : memref<200x128xi32, #tpu.memory_space<vmem>> -> memref<1x128xi32, #tpu.memory_space<vmem>>
    %dma_start3A_32 = tpu.memref_squeeze %dma_start3A_31 : memref<1x128xi32, #tpu.memory_space<vmem>> -> memref<128xi32, #tpu.memory_space<vmem>>
    %dma_start3A_33 = arith.constant 0 : i32
    %dma_start3A_34 = arith.constant 0 : i32
    %dma_start3A_35 = tpu.memref_slice %arg2[%dma_start3A_33, %dma_start3A_34] : memref<100000x128xf32, #tpu.memory_space<hbm>> -> memref<100000x128xf32, #tpu.memory_space<hbm>>
    tpu.enqueue_indirect_dma source(%dma_start3A_35 : memref<100000x128xf32, #tpu.memory_space<hbm>>) target(%dma_start3A_29 : memref<128x128xf32, #tpu.memory_space<vmem>>) offsets(%dma_start3A_32 : memref<128xi32, #tpu.memory_space<vmem>>) semaphore(%arg9 : memref<!tpu.dma_semaphore, #tpu.memory_space<semaphore_mem>>)
    %dma_wait3A = arith.constant 0 : i32
    %dma_wait3A_36 = arith.constant 0 : i32
    %dma_wait3A_37 = arith.constant 0 : i32
    %dma_wait3A_38 = arith.constant 0 : i32
    %dma_wait3A_39 = tpu.memref_slice %arg6[%dma_wait3A_36, %dma_wait3A_37, %dma_wait3A_38] : memref<5x128x128xf32, #tpu.memory_space<vmem>> -> memref<1x128x128xf32, #tpu.memory_space<vmem>>
    %dma_wait3A_40 = tpu.memref_squeeze %dma_wait3A_39 : memref<1x128x128xf32, #tpu.memory_space<vmem>> -> memref<128x128xf32, #tpu.memory_space<vmem>>
    %dma_wait3A_41 = arith.constant 0 : i32
    %dma_wait3A_42 = tpu.memref_slice %arg5[%dma_wait3A, %dma_wait3A_41] : memref<200x128xi32, #tpu.memory_space<vmem>> -> memref<1x128xi32, #tpu.memory_space<vmem>>
    %dma_wait3A_43 = tpu.memref_squeeze %dma_wait3A_42 : memref<1x128xi32, #tpu.memory_space<vmem>> -> memref<128xi32, #tpu.memory_space<vmem>>
    %dma_wait3A_44 = arith.constant 0 : i32
    %dma_wait3A_45 = arith.constant 0 : i32
    %dma_wait3A_46 = tpu.memref_slice %arg2[%dma_wait3A_44, %dma_wait3A_45] : memref<100000x128xf32, #tpu.memory_space<hbm>> -> memref<100000x128xf32, #tpu.memory_space<hbm>>
    tpu.wait_indirect_dma semaphore(%arg7 : memref<!tpu.dma_semaphore, #tpu.memory_space<semaphore_mem>>) src(%dma_wait3A_46 : memref<100000x128xf32, #tpu.memory_space<hbm>>) dst(%dma_wait3A_40 : memref<128x128xf32, #tpu.memory_space<vmem>>)
    %dma_start3A_47 = arith.constant 3 : i32
    %dma_start3A_48 = arith.constant 3 : i32
    %dma_start3A_49 = arith.constant 0 : i32
    %dma_start3A_50 = arith.constant 0 : i32
    %dma_start3A_51 = tpu.memref_slice %arg6[%dma_start3A_48, %dma_start3A_49, %dma_start3A_50] : memref<5x128x128xf32, #tpu.memory_space<vmem>> -> memref<1x128x128xf32, #tpu.memory_space<vmem>>
    %dma_start3A_52 = tpu.memref_squeeze %dma_start3A_51 : memref<1x128x128xf32, #tpu.memory_space<vmem>> -> memref<128x128xf32, #tpu.memory_space<vmem>>
    %dma_start3A_53 = arith.constant 0 : i32
    %dma_start3A_54 = tpu.memref_slice %arg5[%dma_start3A_47, %dma_start3A_53] : memref<200x128xi32, #tpu.memory_space<vmem>> -> memref<1x128xi32, #tpu.memory_space<vmem>>
    %dma_start3A_55 = tpu.memref_squeeze %dma_start3A_54 : memref<1x128xi32, #tpu.memory_space<vmem>> -> memref<128xi32, #tpu.memory_space<vmem>>
    %dma_start3A_56 = arith.constant 0 : i32
    %dma_start3A_57 = arith.constant 0 : i32
    %dma_start3A_58 = tpu.memref_slice %arg2[%dma_start3A_56, %dma_start3A_57] : memref<100000x128xf32, #tpu.memory_space<hbm>> -> memref<100000x128xf32, #tpu.memory_space<hbm>>
    tpu.enqueue_indirect_dma source(%dma_start3A_58 : memref<100000x128xf32, #tpu.memory_space<hbm>>) target(%dma_start3A_52 : memref<128x128xf32, #tpu.memory_space<vmem>>) offsets(%dma_start3A_55 : memref<128xi32, #tpu.memory_space<vmem>>) semaphore(%arg10 : memref<!tpu.dma_semaphore, #tpu.memory_space<semaphore_mem>>)
    %dma_start3A_59 = arith.constant 0 : i32
    %dma_start3A_60 = arith.constant 100 : i32
    %dma_start3A_61 = arith.constant 0 : i32
    %dma_start3A_62 = arith.constant 0 : i32
    %dma_start3A_63 = tpu.memref_slice %arg6[%dma_start3A_59, %dma_start3A_61, %dma_start3A_62] : memref<5x128x128xf32, #tpu.memory_space<vmem>> -> memref<1x128x128xf32, #tpu.memory_space<vmem>>
    %dma_start3A_64 = tpu.memref_squeeze %dma_start3A_63 : memref<1x128x128xf32, #tpu.memory_space<vmem>> -> memref<128x128xf32, #tpu.memory_space<vmem>>
    %dma_start3A_65 = arith.constant 0 : i32
    %dma_start3A_66 = arith.constant 0 : i32
    %dma_start3A_67 = tpu.memref_slice %arg4[%add3A, %dma_start3A_60, %dma_start3A_65, %dma_start3A_66] : memref<32x200x128x128xf32, #tpu.memory_space<hbm>> -> memref<1x1x128x128xf32, #tpu.memory_space<hbm>>
    %dma_start3A_68 = tpu.memref_squeeze %dma_start3A_67 : memref<1x1x128x128xf32, #tpu.memory_space<hbm>> -> memref<128x128xf32, #tpu.memory_space<hbm>>
    %dma_start3A_69 = arith.constant 0 : i32
    %dma_start3A_70 = arith.constant 0 : i32
    %dma_start3A_71 = tpu.memref_slice %arg4[%add3A, %dma_start3A_60, %dma_start3A_69, %dma_start3A_70] : memref<32x200x128x128xf32, #tpu.memory_space<hbm>> -> memref<1x1x128x128xf32, #tpu.memory_space<hbm>>
    %dma_start3A_72 = tpu.memref_squeeze %dma_start3A_71 : memref<1x1x128x128xf32, #tpu.memory_space<hbm>> -> memref<128x128xf32, #tpu.memory_space<hbm>>
    %dma_start3A_73 = arith.constant 0 : i32
    %dma_start3A_74 = arith.constant 0 : i32
    %dma_start3A_75 = tpu.memref_slice %arg6[%dma_start3A_59, %dma_start3A_73, %dma_start3A_74] : memref<5x128x128xf32, #tpu.memory_space<vmem>> -> memref<1x128x128xf32, #tpu.memory_space<vmem>>
    %dma_start3A_76 = tpu.memref_squeeze %dma_start3A_75 : memref<1x128x128xf32, #tpu.memory_space<vmem>> -> memref<128x128xf32, #tpu.memory_space<vmem>>
    tpu.enqueue_dma source(%dma_start3A_76 : memref<128x128xf32, #tpu.memory_space<vmem>>) target(%dma_start3A_72 : memref<128x128xf32, #tpu.memory_space<hbm>>) target_semaphore(%arg12 : memref<!tpu.dma_semaphore, #tpu.memory_space<semaphore_mem>>)
    %dma_wait3A_77 = arith.constant 1 : i32
    %dma_wait3A_78 = arith.constant 1 : i32
    %dma_wait3A_79 = arith.constant 0 : i32
    %dma_wait3A_80 = arith.constant 0 : i32
    %dma_wait3A_81 = tpu.memref_slice %arg6[%dma_wait3A_78, %dma_wait3A_79, %dma_wait3A_80] : memref<5x128x128xf32, #tpu.memory_space<vmem>> -> memref<1x128x128xf32, #tpu.memory_space<vmem>>
    %dma_wait3A_82 = tpu.memref_squeeze %dma_wait3A_81 : memref<1x128x128xf32, #tpu.memory_space<vmem>> -> memref<128x128xf32, #tpu.memory_space<vmem>>
    %dma_wait3A_83 = arith.constant 0 : i32
    %dma_wait3A_84 = tpu.memref_slice %arg5[%dma_wait3A_77, %dma_wait3A_83] : memref<200x128xi32, #tpu.memory_space<vmem>> -> memref<1x128xi32, #tpu.memory_space<vmem>>
    %dma_wait3A_85 = tpu.memref_squeeze %dma_wait3A_84 : memref<1x128xi32, #tpu.memory_space<vmem>> -> memref<128xi32, #tpu.memory_space<vmem>>
    %dma_wait3A_86 = arith.constant 0 : i32
    %dma_wait3A_87 = arith.constant 0 : i32
    %dma_wait3A_88 = tpu.memref_slice %arg2[%dma_wait3A_86, %dma_wait3A_87] : memref<100000x128xf32, #tpu.memory_space<hbm>> -> memref<100000x128xf32, #tpu.memory_space<hbm>>
    tpu.wait_indirect_dma semaphore(%arg8 : memref<!tpu.dma_semaphore, #tpu.memory_space<semaphore_mem>>) src(%dma_wait3A_88 : memref<100000x128xf32, #tpu.memory_space<hbm>>) dst(%dma_wait3A_82 : memref<128x128xf32, #tpu.memory_space<vmem>>)
    %dma_start3A_89 = arith.constant 4 : i32
    %dma_start3A_90 = arith.constant 4 : i32
    %dma_start3A_91 = arith.constant 0 : i32
    %dma_start3A_92 = arith.constant 0 : i32
    %dma_start3A_93 = tpu.memref_slice %arg6[%dma_start3A_90, %dma_start3A_91, %dma_start3A_92] : memref<5x128x128xf32, #tpu.memory_space<vmem>> -> memref<1x128x128xf32, #tpu.memory_space<vmem>>
    %dma_start3A_94 = tpu.memref_squeeze %dma_start3A_93 : memref<1x128x128xf32, #tpu.memory_space<vmem>> -> memref<128x128xf32, #tpu.memory_space<vmem>>
    %dma_start3A_95 = arith.constant 0 : i32
    %dma_start3A_96 = tpu.memref_slice %arg5[%dma_start3A_89, %dma_start3A_95] : memref<200x128xi32, #tpu.memory_space<vmem>> -> memref<1x128xi32, #tpu.memory_space<vmem>>
    %dma_start3A_97 = tpu.memref_squeeze %dma_start3A_96 : memref<1x128xi32, #tpu.memory_space<vmem>> -> memref<128xi32, #tpu.memory_space<vmem>>
    %dma_start3A_98 = arith.constant 0 : i32
    %dma_start3A_99 = arith.constant 0 : i32
    %dma_start3A_100 = tpu.memref_slice %arg2[%dma_start3A_98, %dma_start3A_99] : memref<100000x128xf32, #tpu.memory_space<hbm>> -> memref<100000x128xf32, #tpu.memory_space<hbm>>
    tpu.enqueue_indirect_dma source(%dma_start3A_100 : memref<100000x128xf32, #tpu.memory_space<hbm>>) target(%dma_start3A_94 : memref<128x128xf32, #tpu.memory_space<vmem>>) offsets(%dma_start3A_97 : memref<128xi32, #tpu.memory_space<vmem>>) semaphore(%arg11 : memref<!tpu.dma_semaphore, #tpu.memory_space<semaphore_mem>>)
    %dma_start3A_101 = arith.constant 1 : i32
    %dma_start3A_102 = arith.constant 101 : i32
    %dma_start3A_103 = arith.constant 0 : i32
    %dma_start3A_104 = arith.constant 0 : i32
    %dma_start3A_105 = tpu.memref_slice %arg6[%dma_start3A_101, %dma_start3A_103, %dma_start3A_104] : memref<5x128x128xf32, #tpu.memory_space<vmem>> -> memref<1x128x128xf32, #tpu.memory_space<vmem>>
    %dma_start3A_106 = tpu.memref_squeeze %dma_start3A_105 : memref<1x128x128xf32, #tpu.memory_space<vmem>> -> memref<128x128xf32, #tpu.memory_space<vmem>>
    %dma_start3A_107 = arith.constant 0 : i32
    %dma_start3A_108 = arith.constant 0 : i32
    %dma_start3A_109 = tpu.memref_slice %arg4[%add3A, %dma_start3A_102, %dma_start3A_107, %dma_start3A_108] : memref<32x200x128x128xf32, #tpu.memory_space<hbm>> -> memref<1x1x128x128xf32, #tpu.memory_space<hbm>>
    %dma_start3A_110 = tpu.memref_squeeze %dma_start3A_109 : memref<1x1x128x128xf32, #tpu.memory_space<hbm>> -> memref<128x128xf32, #tpu.memory_space<hbm>>
    %dma_start3A_111 = arith.constant 0 : i32
    %dma_start3A_112 = arith.constant 0 : i32
    %dma_start3A_113 = tpu.memref_slice %arg4[%add3A, %dma_start3A_102, %dma_start3A_111, %dma_start3A_112] : memref<32x200x128x128xf32, #tpu.memory_space<hbm>> -> memref<1x1x128x128xf32, #tpu.memory_space<hbm>>
    %dma_start3A_114 = tpu.memref_squeeze %dma_start3A_113 : memref<1x1x128x128xf32, #tpu.memory_space<hbm>> -> memref<128x128xf32, #tpu.memory_space<hbm>>
    %dma_start3A_115 = arith.constant 0 : i32
    %dma_start3A_116 = arith.constant 0 : i32
    %dma_start3A_117 = tpu.memref_slice %arg6[%dma_start3A_101, %dma_start3A_115, %dma_start3A_116] : memref<5x128x128xf32, #tpu.memory_space<vmem>> -> memref<1x128x128xf32, #tpu.memory_space<vmem>>
    %dma_start3A_118 = tpu.memref_squeeze %dma_start3A_117 : memref<1x128x128xf32, #tpu.memory_space<vmem>> -> memref<128x128xf32, #tpu.memory_space<vmem>>
    tpu.enqueue_dma source(%dma_start3A_118 : memref<128x128xf32, #tpu.memory_space<vmem>>) target(%dma_start3A_114 : memref<128x128xf32, #tpu.memory_space<hbm>>) target_semaphore(%arg13 : memref<!tpu.dma_semaphore, #tpu.memory_space<semaphore_mem>>)
    %dma_wait3A_119 = arith.constant 2 : i32
    %dma_wait3A_120 = arith.constant 2 : i32
    %dma_wait3A_121 = arith.constant 0 : i32
    %dma_wait3A_122 = arith.constant 0 : i32
    %dma_wait3A_123 = tpu.memref_slice %arg6[%dma_wait3A_120, %dma_wait3A_121, %dma_wait3A_122] : memref<5x128x128xf32, #tpu.memory_space<vmem>> -> memref<1x128x128xf32, #tpu.memory_space<vmem>>
    %dma_wait3A_124 = tpu.memref_squeeze %dma_wait3A_123 : memref<1x128x128xf32, #tpu.memory_space<vmem>> -> memref<128x128xf32, #tpu.memory_space<vmem>>
    %dma_wait3A_125 = arith.constant 0 : i32
    %dma_wait3A_126 = tpu.memref_slice %arg5[%dma_wait3A_119, %dma_wait3A_125] : memref<200x128xi32, #tpu.memory_space<vmem>> -> memref<1x128xi32, #tpu.memory_space<vmem>>
    %dma_wait3A_127 = tpu.memref_squeeze %dma_wait3A_126 : memref<1x128xi32, #tpu.memory_space<vmem>> -> memref<128xi32, #tpu.memory_space<vmem>>
    %dma_wait3A_128 = arith.constant 0 : i32
    %dma_wait3A_129 = arith.constant 0 : i32
    %dma_wait3A_130 = tpu.memref_slice %arg2[%dma_wait3A_128, %dma_wait3A_129] : memref<100000x128xf32, #tpu.memory_space<hbm>> -> memref<100000x128xf32, #tpu.memory_space<hbm>>
    tpu.wait_indirect_dma semaphore(%arg9 : memref<!tpu.dma_semaphore, #tpu.memory_space<semaphore_mem>>) src(%dma_wait3A_130 : memref<100000x128xf32, #tpu.memory_space<hbm>>) dst(%dma_wait3A_124 : memref<128x128xf32, #tpu.memory_space<vmem>>)
    %dma_start3A_131 = arith.constant 5 : i32
    %dma_start3A_132 = arith.constant 0 : i32
    %dma_start3A_133 = arith.constant 0 : i32
    %dma_start3A_134 = arith.constant 0 : i32
    %dma_start3A_135 = tpu.memref_slice %arg6[%dma_start3A_132, %dma_start3A_133, %dma_start3A_134] : memref<5x128x128xf32, #tpu.memory_space<vmem>> -> memref<1x128x128xf32, #tpu.memory_space<vmem>>
    %dma_start3A_136 = tpu.memref_squeeze %dma_start3A_135 : memref<1x128x128xf32, #tpu.memory_space<vmem>> -> memref<128x128xf32, #tpu.memory_space<vmem>>
    %dma_start3A_137 = arith.constant 0 : i32
    %dma_start3A_138 = tpu.memref_slice %arg5[%dma_start3A_131, %dma_start3A_137] : memref<200x128xi32, #tpu.memory_space<vmem>> -> memref<1x128xi32, #tpu.memory_space<vmem>>
    %dma_start3A_139 = tpu.memref_squeeze %dma_start3A_138 : memref<1x128xi32, #tpu.memory_space<vmem>> -> memref<128xi32, #tpu.memory_space<vmem>>
    %dma_start3A_140 = arith.constant 0 : i32
    %dma_start3A_141 = arith.constant 0 : i32
    %dma_start3A_142 = tpu.memref_slice %arg2[%dma_start3A_140, %dma_start3A_141] : memref<100000x128xf32, #tpu.memory_space<hbm>> -> memref<100000x128xf32, #tpu.memory_space<hbm>>
    tpu.enqueue_indirect_dma source(%dma_start3A_142 : memref<100000x128xf32, #tpu.memory_space<hbm>>) target(%dma_start3A_136 : memref<128x128xf32, #tpu.memory_space<vmem>>) offsets(%dma_start3A_139 : memref<128xi32, #tpu.memory_space<vmem>>) semaphore(%arg7 : memref<!tpu.dma_semaphore, #tpu.memory_space<semaphore_mem>>)
    %dma_start3A_143 = arith.constant 2 : i32
    %dma_start3A_144 = arith.constant 102 : i32
    %dma_start3A_145 = arith.constant 0 : i32
    %dma_start3A_146 = arith.constant 0 : i32
    %dma_start3A_147 = tpu.memref_slice %arg6[%dma_start3A_143, %dma_start3A_145, %dma_start3A_146] : memref<5x128x128xf32, #tpu.memory_space<vmem>> -> memref<1x128x128xf32, #tpu.memory_space<vmem>>
    %dma_start3A_148 = tpu.memref_squeeze %dma_start3A_147 : memref<1x128x128xf32, #tpu.memory_space<vmem>> -> memref<128x128xf32, #tpu.memory_space<vmem>>
    %dma_start3A_149 = arith.constant 0 : i32
    %dma_start3A_150 = arith.constant 0 : i32
    %dma_start3A_151 = tpu.memref_slice %arg4[%add3A, %dma_start3A_144, %dma_start3A_149, %dma_start3A_150] : memref<32x200x128x128xf32, #tpu.memory_space<hbm>> -> memref<1x1x128x128xf32, #tpu.memory_space<hbm>>
    %dma_start3A_152 = tpu.memref_squeeze %dma_start3A_151 : memref<1x1x128x128xf32, #tpu.memory_space<hbm>> -> memref<128x128xf32, #tpu.memory_space<hbm>>
    %dma_start3A_153 = arith.constant 0 : i32
    %dma_start3A_154 = arith.constant 0 : i32
    %dma_start3A_155 = tpu.memref_slice %arg4[%add3A, %dma_start3A_144, %dma_start3A_153, %dma_start3A_154] : memref<32x200x128x128xf32, #tpu.memory_space<hbm>> -> memref<1x1x128x128xf32, #tpu.memory_space<hbm>>
    %dma_start3A_156 = tpu.memref_squeeze %dma_start3A_155 : memref<1x1x128x128xf32, #tpu.memory_space<hbm>> -> memref<128x128xf32, #tpu.memory_space<hbm>>
    %dma_start3A_157 = arith.constant 0 : i32
    %dma_start3A_158 = arith.constant 0 : i32
    %dma_start3A_159 = tpu.memref_slice %arg6[%dma_start3A_143, %dma_start3A_157, %dma_start3A_158] : memref<5x128x128xf32, #tpu.memory_space<vmem>> -> memref<1x128x128xf32, #tpu.memory_space<vmem>>
    %dma_start3A_160 = tpu.memref_squeeze %dma_start3A_159 : memref<1x128x128xf32, #tpu.memory_space<vmem>> -> memref<128x128xf32, #tpu.memory_space<vmem>>
    tpu.enqueue_dma source(%dma_start3A_160 : memref<128x128xf32, #tpu.memory_space<vmem>>) target(%dma_start3A_156 : memref<128x128xf32, #tpu.memory_space<hbm>>) target_semaphore(%arg14 : memref<!tpu.dma_semaphore, #tpu.memory_space<semaphore_mem>>)
    %dma_wait3A_161 = arith.constant 0 : i32
    %dma_wait3A_162 = arith.constant 100 : i32
    %dma_wait3A_163 = arith.constant 0 : i32
    %dma_wait3A_164 = arith.constant 0 : i32
    %dma_wait3A_165 = tpu.memref_slice %arg6[%dma_wait3A_161, %dma_wait3A_163, %dma_wait3A_164] : memref<5x128x128xf32, #tpu.memory_space<vmem>> -> memref<1x128x128xf32, #tpu.memory_space<vmem>>
    %dma_wait3A_166 = tpu.memref_squeeze %dma_wait3A_165 : memref<1x128x128xf32, #tpu.memory_space<vmem>> -> memref<128x128xf32, #tpu.memory_space<vmem>>
    %dma_wait3A_167 = arith.constant 0 : i32
    %dma_wait3A_168 = arith.constant 0 : i32
    %dma_wait3A_169 = tpu.memref_slice %arg4[%add3A, %dma_wait3A_162, %dma_wait3A_167, %dma_wait3A_168] : memref<32x200x128x128xf32, #tpu.memory_space<hbm>> -> memref<1x1x128x128xf32, #tpu.memory_space<hbm>>
    %dma_wait3A_170 = tpu.memref_squeeze %dma_wait3A_169 : memref<1x1x128x128xf32, #tpu.memory_space<hbm>> -> memref<128x128xf32, #tpu.memory_space<hbm>>
    %dma_wait3A_171 = arith.constant 0 : i32
    %dma_wait3A_172 = arith.constant 0 : i32
    %dma_wait3A_173 = tpu.memref_slice %arg4[%add3A, %dma_wait3A_162, %dma_wait3A_171, %dma_wait3A_172] : memref<32x200x128x128xf32, #tpu.memory_space<hbm>> -> memref<1x1x128x128xf32, #tpu.memory_space<hbm>>
    %dma_wait3A_174 = tpu.memref_squeeze %dma_wait3A_173 : memref<1x1x128x128xf32, #tpu.memory_space<hbm>> -> memref<128x128xf32, #tpu.memory_space<hbm>>
    %dma_wait3A_175 = arith.constant 0 : i32
    %dma_wait3A_176 = arith.constant 0 : i32
    %dma_wait3A_177 = tpu.memref_slice %arg6[%dma_wait3A_161, %dma_wait3A_175, %dma_wait3A_176] : memref<5x128x128xf32, #tpu.memory_space<vmem>> -> memref<1x128x128xf32, #tpu.memory_space<vmem>>
    %dma_wait3A_178 = tpu.memref_squeeze %dma_wait3A_177 : memref<1x128x128xf32, #tpu.memory_space<vmem>> -> memref<128x128xf32, #tpu.memory_space<vmem>>
    tpu.wait_dma2 semaphore(%arg12 : memref<!tpu.dma_semaphore, #tpu.memory_space<semaphore_mem>>) src(%dma_wait3A_178 : memref<128x128xf32, #tpu.memory_space<vmem>>) dst(%dma_wait3A_174 : memref<128x128xf32, #tpu.memory_space<hbm>>)
    %dma_wait3A_179 = arith.constant 3 : i32
    %dma_wait3A_180 = arith.constant 3 : i32
    %dma_wait3A_181 = arith.constant 0 : i32
    %dma_wait3A_182 = arith.constant 0 : i32
    %dma_wait3A_183 = tpu.memref_slice %arg6[%dma_wait3A_180, %dma_wait3A_181, %dma_wait3A_182] : memref<5x128x128xf32, #tpu.memory_space<vmem>> -> memref<1x128x128xf32, #tpu.memory_space<vmem>>
    %dma_wait3A_184 = tpu.memref_squeeze %dma_wait3A_183 : memref<1x128x128xf32, #tpu.memory_space<vmem>> -> memref<128x128xf32, #tpu.memory_space<vmem>>
    %dma_wait3A_185 = arith.constant 0 : i32
    %dma_wait3A_186 = tpu.memref_slice %arg5[%dma_wait3A_179, %dma_wait3A_185] : memref<200x128xi32, #tpu.memory_space<vmem>> -> memref<1x128xi32, #tpu.memory_space<vmem>>
    %dma_wait3A_187 = tpu.memref_squeeze %dma_wait3A_186 : memref<1x128xi32, #tpu.memory_space<vmem>> -> memref<128xi32, #tpu.memory_space<vmem>>
    %dma_wait3A_188 = arith.constant 0 : i32
    %dma_wait3A_189 = arith.constant 0 : i32
    %dma_wait3A_190 = tpu.memref_slice %arg2[%dma_wait3A_188, %dma_wait3A_189] : memref<100000x128xf32, #tpu.memory_space<hbm>> -> memref<100000x128xf32, #tpu.memory_space<hbm>>
    tpu.wait_indirect_dma semaphore(%arg10 : memref<!tpu.dma_semaphore, #tpu.memory_space<semaphore_mem>>) src(%dma_wait3A_190 : memref<100000x128xf32, #tpu.memory_space<hbm>>) dst(%dma_wait3A_184 : memref<128x128xf32, #tpu.memory_space<vmem>>)
    %dma_start3A_191 = arith.constant 6 : i32
    %dma_start3A_192 = arith.constant 1 : i32
    %dma_start3A_193 = arith.constant 0 : i32
    %dma_start3A_194 = arith.constant 0 : i32
    %dma_start3A_195 = tpu.memref_slice %arg6[%dma_start3A_192, %dma_start3A_193, %dma_start3A_194] : memref<5x128x128xf32, #tpu.memory_space<vmem>> -> memref<1x128x128xf32, #tpu.memory_space<vmem>>
    %dma_start3A_196 = tpu.memref_squeeze %dma_start3A_195 : memref<1x128x128xf32, #tpu.memory_space<vmem>> -> memref<128x128xf32, #tpu.memory_space<vmem>>
    %dma_start3A_197 = arith.constant 0 : i32
    %dma_start3A_198 = tpu.memref_slice %arg5[%dma_start3A_191, %dma_start3A_197] : memref<200x128xi32, #tpu.memory_space<vmem>> -> memref<1x128xi32, #tpu.memory_space<vmem>>
    %dma_start3A_199 = tpu.memref_squeeze %dma_start3A_198 : memref<1x128xi32, #tpu.memory_space<vmem>> -> memref<128xi32, #tpu.memory_space<vmem>>
    %dma_start3A_200 = arith.constant 0 : i32
    %dma_start3A_201 = arith.constant 0 : i32
    %dma_start3A_202 = tpu.memref_slice %arg2[%dma_start3A_200, %dma_start3A_201] : memref<100000x128xf32, #tpu.memory_space<hbm>> -> memref<100000x128xf32, #tpu.memory_space<hbm>>
    tpu.enqueue_indirect_dma source(%dma_start3A_202 : memref<100000x128xf32, #tpu.memory_space<hbm>>) target(%dma_start3A_196 : memref<128x128xf32, #tpu.memory_space<vmem>>) offsets(%dma_start3A_199 : memref<128xi32, #tpu.memory_space<vmem>>) semaphore(%arg8 : memref<!tpu.dma_semaphore, #tpu.memory_space<semaphore_mem>>)
    %dma_start3A_203 = arith.constant 3 : i32
    %dma_start3A_204 = arith.constant 103 : i32
    %dma_start3A_205 = arith.constant 0 : i32
    %dma_start3A_206 = arith.constant 0 : i32
    %dma_start3A_207 = tpu.memref_slice %arg6[%dma_start3A_203, %dma_start3A_205, %dma_start3A_206] : memref<5x128x128xf32, #tpu.memory_space<vmem>> -> memref<1x128x128xf32, #tpu.memory_space<vmem>>
    %dma_start3A_208 = tpu.memref_squeeze %dma_start3A_207 : memref<1x128x128xf32, #tpu.memory_space<vmem>> -> memref<128x128xf32, #tpu.memory_space<vmem>>
    %dma_start3A_209 = arith.constant 0 : i32
    %dma_start3A_210 = arith.constant 0 : i32
    %dma_start3A_211 = tpu.memref_slice %arg4[%add3A, %dma_start3A_204, %dma_start3A_209, %dma_start3A_210] : memref<32x200x128x128xf32, #tpu.memory_space<hbm>> -> memref<1x1x128x128xf32, #tpu.memory_space<hbm>>
    %dma_start3A_212 = tpu.memref_squeeze %dma_start3A_211 : memref<1x1x128x128xf32, #tpu.memory_space<hbm>> -> memref<128x128xf32, #tpu.memory_space<hbm>>
    %dma_start3A_213 = arith.constant 0 : i32
    %dma_start3A_214 = arith.constant 0 : i32
    %dma_start3A_215 = tpu.memref_slice %arg4[%add3A, %dma_start3A_204, %dma_start3A_213, %dma_start3A_214] : memref<32x200x128x128xf32, #tpu.memory_space<hbm>> -> memref<1x1x128x128xf32, #tpu.memory_space<hbm>>
    %dma_start3A_216 = tpu.memref_squeeze %dma_start3A_215 : memref<1x1x128x128xf32, #tpu.memory_space<hbm>> -> memref<128x128xf32, #tpu.memory_space<hbm>>
    %dma_start3A_217 = arith.constant 0 : i32
    %dma_start3A_218 = arith.constant 0 : i32
    %dma_start3A_219 = tpu.memref_slice %arg6[%dma_start3A_203, %dma_start3A_217, %dma_start3A_218] : memref<5x128x128xf32, #tpu.memory_space<vmem>> -> memref<1x128x128xf32, #tpu.memory_space<vmem>>
    %dma_start3A_220 = tpu.memref_squeeze %dma_start3A_219 : memref<1x128x128xf32, #tpu.memory_space<vmem>> -> memref<128x128xf32, #tpu.memory_space<vmem>>
    tpu.enqueue_dma source(%dma_start3A_220 : memref<128x128xf32, #tpu.memory_space<vmem>>) target(%dma_start3A_216 : memref<128x128xf32, #tpu.memory_space<hbm>>) target_semaphore(%arg15 : memref<!tpu.dma_semaphore, #tpu.memory_space<semaphore_mem>>)
    %dma_wait3A_221 = arith.constant 1 : i32
    %dma_wait3A_222 = arith.constant 101 : i32
    %dma_wait3A_223 = arith.constant 0 : i32
    %dma_wait3A_224 = arith.constant 0 : i32
    %dma_wait3A_225 = tpu.memref_slice %arg6[%dma_wait3A_221, %dma_wait3A_223, %dma_wait3A_224] : memref<5x128x128xf32, #tpu.memory_space<vmem>> -> memref<1x128x128xf32, #tpu.memory_space<vmem>>
    %dma_wait3A_226 = tpu.memref_squeeze %dma_wait3A_225 : memref<1x128x128xf32, #tpu.memory_space<vmem>> -> memref<128x128xf32, #tpu.memory_space<vmem>>
    %dma_wait3A_227 = arith.constant 0 : i32
    %dma_wait3A_228 = arith.constant 0 : i32
    %dma_wait3A_229 = tpu.memref_slice %arg4[%add3A, %dma_wait3A_222, %dma_wait3A_227, %dma_wait3A_228] : memref<32x200x128x128xf32, #tpu.memory_space<hbm>> -> memref<1x1x128x128xf32, #tpu.memory_space<hbm>>
    %dma_wait3A_230 = tpu.memref_squeeze %dma_wait3A_229 : memref<1x1x128x128xf32, #tpu.memory_space<hbm>> -> memref<128x128xf32, #tpu.memory_space<hbm>>
    %dma_wait3A_231 = arith.constant 0 : i32
    %dma_wait3A_232 = arith.constant 0 : i32
    %dma_wait3A_233 = tpu.memref_slice %arg4[%add3A, %dma_wait3A_222, %dma_wait3A_231, %dma_wait3A_232] : memref<32x200x128x128xf32, #tpu.memory_space<hbm>> -> memref<1x1x128x128xf32, #tpu.memory_space<hbm>>
    %dma_wait3A_234 = tpu.memref_squeeze %dma_wait3A_233 : memref<1x1x128x128xf32, #tpu.memory_space<hbm>> -> memref<128x128xf32, #tpu.memory_space<hbm>>
    %dma_wait3A_235 = arith.constant 0 : i32
    %dma_wait3A_236 = arith.constant 0 : i32
    %dma_wait3A_237 = tpu.memref_slice %arg6[%dma_wait3A_221, %dma_wait3A_235, %dma_wait3A_236] : memref<5x128x128xf32, #tpu.memory_space<vmem>> -> memref<1x128x128xf32, #tpu.memory_space<vmem>>
    %dma_wait3A_238 = tpu.memref_squeeze %dma_wait3A_237 : memref<1x128x128xf32, #tpu.memory_space<vmem>> -> memref<128x128xf32, #tpu.memory_space<vmem>>
    tpu.wait_dma2 semaphore(%arg13 : memref<!tpu.dma_semaphore, #tpu.memory_space<semaphore_mem>>) src(%dma_wait3A_238 : memref<128x128xf32, #tpu.memory_space<vmem>>) dst(%dma_wait3A_234 : memref<128x128xf32, #tpu.memory_space<hbm>>)
    %dma_wait3A_239 = arith.constant 4 : i32
    %dma_wait3A_240 = arith.constant 4 : i32
    %dma_wait3A_241 = arith.constant 0 : i32
    %dma_wait3A_242 = arith.constant 0 : i32
    %dma_wait3A_243 = tpu.memref_slice %arg6[%dma_wait3A_240, %dma_wait3A_241, %dma_wait3A_242] : memref<5x128x128xf32, #tpu.memory_space<vmem>> -> memref<1x128x128xf32, #tpu.memory_space<vmem>>
    %dma_wait3A_244 = tpu.memref_squeeze %dma_wait3A_243 : memref<1x128x128xf32, #tpu.memory_space<vmem>> -> memref<128x128xf32, #tpu.memory_space<vmem>>
    %dma_wait3A_245 = arith.constant 0 : i32
    %dma_wait3A_246 = tpu.memref_slice %arg5[%dma_wait3A_239, %dma_wait3A_245] : memref<200x128xi32, #tpu.memory_space<vmem>> -> memref<1x128xi32, #tpu.memory_space<vmem>>
    %dma_wait3A_247 = tpu.memref_squeeze %dma_wait3A_246 : memref<1x128xi32, #tpu.memory_space<vmem>> -> memref<128xi32, #tpu.memory_space<vmem>>
    %dma_wait3A_248 = arith.constant 0 : i32
    %dma_wait3A_249 = arith.constant 0 : i32
    %dma_wait3A_250 = tpu.memref_slice %arg2[%dma_wait3A_248, %dma_wait3A_249] : memref<100000x128xf32, #tpu.memory_space<hbm>> -> memref<100000x128xf32, #tpu.memory_space<hbm>>
    tpu.wait_indirect_dma semaphore(%arg11 : memref<!tpu.dma_semaphore, #tpu.memory_space<semaphore_mem>>) src(%dma_wait3A_250 : memref<100000x128xf32, #tpu.memory_space<hbm>>) dst(%dma_wait3A_244 : memref<128x128xf32, #tpu.memory_space<vmem>>)
    %dma_start3A_251 = arith.constant 7 : i32
    %dma_start3A_252 = arith.constant 2 : i32
    %dma_start3A_253 = arith.constant 0 : i32
    %dma_start3A_254 = arith.constant 0 : i32
    %dma_start3A_255 = tpu.memref_slice %arg6[%dma_start3A_252, %dma_start3A_253, %dma_start3A_254] : memref<5x128x128xf32, #tpu.memory_space<vmem>> -> memref<1x128x128xf32, #tpu.memory_space<vmem>>
    %dma_start3A_256 = tpu.memref_squeeze %dma_start3A_255 : memref<1x128x128xf32, #tpu.memory_space<vmem>> -> memref<128x128xf32, #tpu.memory_space<vmem>>
    %dma_start3A_257 = arith.constant 0 : i32
    %dma_start3A_258 = tpu.memref_slice %arg5[%dma_start3A_251, %dma_start3A_257] : memref<200x128xi32, #tpu.memory_space<vmem>> -> memref<1x128xi32, #tpu.memory_space<vmem>>
    %dma_start3A_259 = tpu.memref_squeeze %dma_start3A_258 : memref<1x128xi32, #tpu.memory_space<vmem>> -> memref<128xi32, #tpu.memory_space<vmem>>
    %dma_start3A_260 = arith.constant 0 : i32
    %dma_start3A_261 = arith.constant 0 : i32
    %dma_start3A_262 = tpu.memref_slice %arg2[%dma_start3A_260, %dma_start3A_261] : memref<100000x128xf32, #tpu.memory_space<hbm>> -> memref<100000x128xf32, #tpu.memory_space<hbm>>
    tpu.enqueue_indirect_dma source(%dma_start3A_262 : memref<100000x128xf32, #tpu.memory_space<hbm>>) target(%dma_start3A_256 : memref<128x128xf32, #tpu.memory_space<vmem>>) offsets(%dma_start3A_259 : memref<128xi32, #tpu.memory_space<vmem>>) semaphore(%arg9 : memref<!tpu.dma_semaphore, #tpu.memory_space<semaphore_mem>>)
    %dma_start3A_263 = arith.constant 4 : i32
    %dma_start3A_264 = arith.constant 104 : i32
    %dma_start3A_265 = arith.constant 0 : i32
    %dma_start3A_266 = arith.constant 0 : i32
    %dma_start3A_267 = tpu.memref_slice %arg6[%dma_start3A_263, %dma_start3A_265, %dma_start3A_266] : memref<5x128x128xf32, #tpu.memory_space<vmem>> -> memref<1x128x128xf32, #tpu.memory_space<vmem>>
    %dma_start3A_268 = tpu.memref_squeeze %dma_start3A_267 : memref<1x128x128xf32, #tpu.memory_space<vmem>> -> memref<128x128xf32, #tpu.memory_space<vmem>>
    %dma_start3A_269 = arith.constant 0 : i32
    %dma_start3A_270 = arith.constant 0 : i32
    %dma_start3A_271 = tpu.memref_slice %arg4[%add3A, %dma_start3A_264, %dma_start3A_269, %dma_start3A_270] : memref<32x200x128x128xf32, #tpu.memory_space<hbm>> -> memref<1x1x128x128xf32, #tpu.memory_space<hbm>>
    %dma_start3A_272 = tpu.memref_squeeze %dma_start3A_271 : memref<1x1x128x128xf32, #tpu.memory_space<hbm>> -> memref<128x128xf32, #tpu.memory_space<hbm>>
    %dma_start3A_273 = arith.constant 0 : i32
    %dma_start3A_274 = arith.constant 0 : i32
    %dma_start3A_275 = tpu.memref_slice %arg4[%add3A, %dma_start3A_264, %dma_start3A_273, %dma_start3A_274] : memref<32x200x128x128xf32, #tpu.memory_space<hbm>> -> memref<1x1x128x128xf32, #tpu.memory_space<hbm>>
    %dma_start3A_276 = tpu.memref_squeeze %dma_start3A_275 : memref<1x1x128x128xf32, #tpu.memory_space<hbm>> -> memref<128x128xf32, #tpu.memory_space<hbm>>
    %dma_start3A_277 = arith.constant 0 : i32
    %dma_start3A_278 = arith.constant 0 : i32
    %dma_start3A_279 = tpu.memref_slice %arg6[%dma_start3A_263, %dma_start3A_277, %dma_start3A_278] : memref<5x128x128xf32, #tpu.memory_space<vmem>> -> memref<1x128x128xf32, #tpu.memory_space<vmem>>
    %dma_start3A_280 = tpu.memref_squeeze %dma_start3A_279 : memref<1x128x128xf32, #tpu.memory_space<vmem>> -> memref<128x128xf32, #tpu.memory_space<vmem>>
    tpu.enqueue_dma source(%dma_start3A_280 : memref<128x128xf32, #tpu.memory_space<vmem>>) target(%dma_start3A_276 : memref<128x128xf32, #tpu.memory_space<hbm>>) target_semaphore(%arg16 : memref<!tpu.dma_semaphore, #tpu.memory_space<semaphore_mem>>)
    %dma_wait3A_281 = arith.constant 2 : i32
    %dma_wait3A_282 = arith.constant 102 : i32
    %dma_wait3A_283 = arith.constant 0 : i32
    %dma_wait3A_284 = arith.constant 0 : i32
    %dma_wait3A_285 = tpu.memref_slice %arg6[%dma_wait3A_281, %dma_wait3A_283, %dma_wait3A_284] : memref<5x128x128xf32, #tpu.memory_space<vmem>> -> memref<1x128x128xf32, #tpu.memory_space<vmem>>
    %dma_wait3A_286 = tpu.memref_squeeze %dma_wait3A_285 : memref<1x128x128xf32, #tpu.memory_space<vmem>> -> memref<128x128xf32, #tpu.memory_space<vmem>>
    %dma_wait3A_287 = arith.constant 0 : i32
    %dma_wait3A_288 = arith.constant 0 : i32
    %dma_wait3A_289 = tpu.memref_slice %arg4[%add3A, %dma_wait3A_282, %dma_wait3A_287, %dma_wait3A_288] : memref<32x200x128x128xf32, #tpu.memory_space<hbm>> -> memref<1x1x128x128xf32, #tpu.memory_space<hbm>>
    %dma_wait3A_290 = tpu.memref_squeeze %dma_wait3A_289 : memref<1x1x128x128xf32, #tpu.memory_space<hbm>> -> memref<128x128xf32, #tpu.memory_space<hbm>>
    %dma_wait3A_291 = arith.constant 0 : i32
    %dma_wait3A_292 = arith.constant 0 : i32
    %dma_wait3A_293 = tpu.memref_slice %arg4[%add3A, %dma_wait3A_282, %dma_wait3A_291, %dma_wait3A_292] : memref<32x200x128x128xf32, #tpu.memory_space<hbm>> -> memref<1x1x128x128xf32, #tpu.memory_space<hbm>>
    %dma_wait3A_294 = tpu.memref_squeeze %dma_wait3A_293 : memref<1x1x128x128xf32, #tpu.memory_space<hbm>> -> memref<128x128xf32, #tpu.memory_space<hbm>>
    %dma_wait3A_295 = arith.constant 0 : i32
    %dma_wait3A_296 = arith.constant 0 : i32
    %dma_wait3A_297 = tpu.memref_slice %arg6[%dma_wait3A_281, %dma_wait3A_295, %dma_wait3A_296] : memref<5x128x128xf32, #tpu.memory_space<vmem>> -> memref<1x128x128xf32, #tpu.memory_space<vmem>>
    %dma_wait3A_298 = tpu.memref_squeeze %dma_wait3A_297 : memref<1x128x128xf32, #tpu.memory_space<vmem>> -> memref<128x128xf32, #tpu.memory_space<vmem>>
    tpu.wait_dma2 semaphore(%arg14 : memref<!tpu.dma_semaphore, #tpu.memory_space<semaphore_mem>>) src(%dma_wait3A_298 : memref<128x128xf32, #tpu.memory_space<vmem>>) dst(%dma_wait3A_294 : memref<128x128xf32, #tpu.memory_space<hbm>>)
    %scan3A = arith.constant 0 : i32
    %scan3A_299 = arith.constant 1 : i32
    %scan3A_300 = arith.constant 18 : i32
    %scan3A_301 = arith.addi %scan3A_299, %scan3A_300 : i32
    %scan3A_302 = arith.constant 1 : i32
    scf.for %scan3A_604 = %scan3A_299 to %scan3A_301 step %scan3A_302  : i32 {
      %mul3A_605 = arith.constant 5 : i32
      %mul3A_606 = arith.muli %scan3A_604, %mul3A_605 : i32
      %add3A_607 = arith.constant 0 : i32
      %add3A_608 = arith.addi %mul3A_606, %add3A_607 : i32
      %dma_wait3A_609 = arith.constant 0 : i32
      %dma_wait3A_610 = arith.constant 0 : i32
      %dma_wait3A_611 = arith.constant 0 : i32
      %dma_wait3A_612 = tpu.memref_slice %arg6[%dma_wait3A_609, %dma_wait3A_610, %dma_wait3A_611] : memref<5x128x128xf32, #tpu.memory_space<vmem>> -> memref<1x128x128xf32, #tpu.memory_space<vmem>>
      %dma_wait3A_613 = tpu.memref_squeeze %dma_wait3A_612 : memref<1x128x128xf32, #tpu.memory_space<vmem>> -> memref<128x128xf32, #tpu.memory_space<vmem>>
      %dma_wait3A_614 = arith.constant 0 : i32
      %dma_wait3A_615 = tpu.memref_slice %arg5[%add3A_608, %dma_wait3A_614] : memref<200x128xi32, #tpu.memory_space<vmem>> -> memref<1x128xi32, #tpu.memory_space<vmem>>
      %dma_wait3A_616 = tpu.memref_squeeze %dma_wait3A_615 : memref<1x128xi32, #tpu.memory_space<vmem>> -> memref<128xi32, #tpu.memory_space<vmem>>
      %dma_wait3A_617 = arith.constant 0 : i32
      %dma_wait3A_618 = arith.constant 0 : i32
      %dma_wait3A_619 = tpu.memref_slice %arg2[%dma_wait3A_617, %dma_wait3A_618] : memref<100000x128xf32, #tpu.memory_space<hbm>> -> memref<100000x128xf32, #tpu.memory_space<hbm>>
      tpu.wait_indirect_dma semaphore(%arg7 : memref<!tpu.dma_semaphore, #tpu.memory_space<semaphore_mem>>) src(%dma_wait3A_619 : memref<100000x128xf32, #tpu.memory_space<hbm>>) dst(%dma_wait3A_613 : memref<128x128xf32, #tpu.memory_space<vmem>>)
      %add3A_620 = arith.constant 3 : i32
      %add3A_621 = arith.addi %add3A_608, %add3A_620 : i32
      %dma_start3A_622 = arith.constant 3 : i32
      %dma_start3A_623 = arith.constant 0 : i32
      %dma_start3A_624 = arith.constant 0 : i32
      %dma_start3A_625 = tpu.memref_slice %arg6[%dma_start3A_622, %dma_start3A_623, %dma_start3A_624] : memref<5x128x128xf32, #tpu.memory_space<vmem>> -> memref<1x128x128xf32, #tpu.memory_space<vmem>>
      %dma_start3A_626 = tpu.memref_squeeze %dma_start3A_625 : memref<1x128x128xf32, #tpu.memory_space<vmem>> -> memref<128x128xf32, #tpu.memory_space<vmem>>
      %dma_start3A_627 = arith.constant 0 : i32
      %dma_start3A_628 = tpu.memref_slice %arg5[%add3A_621, %dma_start3A_627] : memref<200x128xi32, #tpu.memory_space<vmem>> -> memref<1x128xi32, #tpu.memory_space<vmem>>
      %dma_start3A_629 = tpu.memref_squeeze %dma_start3A_628 : memref<1x128xi32, #tpu.memory_space<vmem>> -> memref<128xi32, #tpu.memory_space<vmem>>
      %dma_start3A_630 = arith.constant 0 : i32
      %dma_start3A_631 = arith.constant 0 : i32
      %dma_start3A_632 = tpu.memref_slice %arg2[%dma_start3A_630, %dma_start3A_631] : memref<100000x128xf32, #tpu.memory_space<hbm>> -> memref<100000x128xf32, #tpu.memory_space<hbm>>
      tpu.enqueue_indirect_dma source(%dma_start3A_632 : memref<100000x128xf32, #tpu.memory_space<hbm>>) target(%dma_start3A_626 : memref<128x128xf32, #tpu.memory_space<vmem>>) offsets(%dma_start3A_629 : memref<128xi32, #tpu.memory_space<vmem>>) semaphore(%arg10 : memref<!tpu.dma_semaphore, #tpu.memory_space<semaphore_mem>>)
      %add3A_633 = arith.constant 100 : i32
      %add3A_634 = arith.addi %add3A_633, %add3A_608 : i32
      %dma_start3A_635 = arith.constant 0 : i32
      %dma_start3A_636 = arith.constant 0 : i32
      %dma_start3A_637 = arith.constant 0 : i32
      %dma_start3A_638 = tpu.memref_slice %arg6[%dma_start3A_635, %dma_start3A_636, %dma_start3A_637] : memref<5x128x128xf32, #tpu.memory_space<vmem>> -> memref<1x128x128xf32, #tpu.memory_space<vmem>>
      %dma_start3A_639 = tpu.memref_squeeze %dma_start3A_638 : memref<1x128x128xf32, #tpu.memory_space<vmem>> -> memref<128x128xf32, #tpu.memory_space<vmem>>
      %dma_start3A_640 = arith.constant 0 : i32
      %dma_start3A_641 = arith.constant 0 : i32
      %dma_start3A_642 = tpu.memref_slice %arg4[%add3A, %add3A_634, %dma_start3A_640, %dma_start3A_641] : memref<32x200x128x128xf32, #tpu.memory_space<hbm>> -> memref<1x1x128x128xf32, #tpu.memory_space<hbm>>
      %dma_start3A_643 = tpu.memref_squeeze %dma_start3A_642 : memref<1x1x128x128xf32, #tpu.memory_space<hbm>> -> memref<128x128xf32, #tpu.memory_space<hbm>>
      %dma_start3A_644 = arith.constant 0 : i32
      %dma_start3A_645 = arith.constant 0 : i32
      %dma_start3A_646 = tpu.memref_slice %arg4[%add3A, %add3A_634, %dma_start3A_644, %dma_start3A_645] : memref<32x200x128x128xf32, #tpu.memory_space<hbm>> -> memref<1x1x128x128xf32, #tpu.memory_space<hbm>>
      %dma_start3A_647 = tpu.memref_squeeze %dma_start3A_646 : memref<1x1x128x128xf32, #tpu.memory_space<hbm>> -> memref<128x128xf32, #tpu.memory_space<hbm>>
      %dma_start3A_648 = arith.constant 0 : i32
      %dma_start3A_649 = arith.constant 0 : i32
      %dma_start3A_650 = tpu.memref_slice %arg6[%dma_start3A_635, %dma_start3A_648, %dma_start3A_649] : memref<5x128x128xf32, #tpu.memory_space<vmem>> -> memref<1x128x128xf32, #tpu.memory_space<vmem>>
      %dma_start3A_651 = tpu.memref_squeeze %dma_start3A_650 : memref<1x128x128xf32, #tpu.memory_space<vmem>> -> memref<128x128xf32, #tpu.memory_space<vmem>>
      tpu.enqueue_dma source(%dma_start3A_651 : memref<128x128xf32, #tpu.memory_space<vmem>>) target(%dma_start3A_647 : memref<128x128xf32, #tpu.memory_space<hbm>>) target_semaphore(%arg12 : memref<!tpu.dma_semaphore, #tpu.memory_space<semaphore_mem>>)
      %add3A_652 = arith.constant 100 : i32
      %add3A_653 = arith.addi %add3A_652, %add3A_608 : i32
      %sub3A = arith.constant 2 : i32
      %sub3A_654 = arith.subi %add3A_653, %sub3A : i32
      %dma_wait3A_655 = arith.constant 3 : i32
      %dma_wait3A_656 = arith.constant 0 : i32
      %dma_wait3A_657 = arith.constant 0 : i32
      %dma_wait3A_658 = tpu.memref_slice %arg6[%dma_wait3A_655, %dma_wait3A_656, %dma_wait3A_657] : memref<5x128x128xf32, #tpu.memory_space<vmem>> -> memref<1x128x128xf32, #tpu.memory_space<vmem>>
      %dma_wait3A_659 = tpu.memref_squeeze %dma_wait3A_658 : memref<1x128x128xf32, #tpu.memory_space<vmem>> -> memref<128x128xf32, #tpu.memory_space<vmem>>
      %dma_wait3A_660 = arith.constant 0 : i32
      %dma_wait3A_661 = arith.constant 0 : i32
      %dma_wait3A_662 = tpu.memref_slice %arg4[%add3A, %sub3A_654, %dma_wait3A_660, %dma_wait3A_661] : memref<32x200x128x128xf32, #tpu.memory_space<hbm>> -> memref<1x1x128x128xf32, #tpu.memory_space<hbm>>
      %dma_wait3A_663 = tpu.memref_squeeze %dma_wait3A_662 : memref<1x1x128x128xf32, #tpu.memory_space<hbm>> -> memref<128x128xf32, #tpu.memory_space<hbm>>
      %dma_wait3A_664 = arith.constant 0 : i32
      %dma_wait3A_665 = arith.constant 0 : i32
      %dma_wait3A_666 = tpu.memref_slice %arg4[%add3A, %sub3A_654, %dma_wait3A_664, %dma_wait3A_665] : memref<32x200x128x128xf32, #tpu.memory_space<hbm>> -> memref<1x1x128x128xf32, #tpu.memory_space<hbm>>
      %dma_wait3A_667 = tpu.memref_squeeze %dma_wait3A_666 : memref<1x1x128x128xf32, #tpu.memory_space<hbm>> -> memref<128x128xf32, #tpu.memory_space<hbm>>
      %dma_wait3A_668 = arith.constant 0 : i32
      %dma_wait3A_669 = arith.constant 0 : i32
      %dma_wait3A_670 = tpu.memref_slice %arg6[%dma_wait3A_655, %dma_wait3A_668, %dma_wait3A_669] : memref<5x128x128xf32, #tpu.memory_space<vmem>> -> memref<1x128x128xf32, #tpu.memory_space<vmem>>
      %dma_wait3A_671 = tpu.memref_squeeze %dma_wait3A_670 : memref<1x128x128xf32, #tpu.memory_space<vmem>> -> memref<128x128xf32, #tpu.memory_space<vmem>>
      tpu.wait_dma2 semaphore(%arg15 : memref<!tpu.dma_semaphore, #tpu.memory_space<semaphore_mem>>) src(%dma_wait3A_671 : memref<128x128xf32, #tpu.memory_space<vmem>>) dst(%dma_wait3A_667 : memref<128x128xf32, #tpu.memory_space<hbm>>)
      %add3A_672 = arith.constant 1 : i32
      %add3A_673 = arith.addi %mul3A_606, %add3A_672 : i32
      %dma_wait3A_674 = arith.constant 1 : i32
      %dma_wait3A_675 = arith.constant 0 : i32
      %dma_wait3A_676 = arith.constant 0 : i32
      %dma_wait3A_677 = tpu.memref_slice %arg6[%dma_wait3A_674, %dma_wait3A_675, %dma_wait3A_676] : memref<5x128x128xf32, #tpu.memory_space<vmem>> -> memref<1x128x128xf32, #tpu.memory_space<vmem>>
      %dma_wait3A_678 = tpu.memref_squeeze %dma_wait3A_677 : memref<1x128x128xf32, #tpu.memory_space<vmem>> -> memref<128x128xf32, #tpu.memory_space<vmem>>
      %dma_wait3A_679 = arith.constant 0 : i32
      %dma_wait3A_680 = tpu.memref_slice %arg5[%add3A_673, %dma_wait3A_679] : memref<200x128xi32, #tpu.memory_space<vmem>> -> memref<1x128xi32, #tpu.memory_space<vmem>>
      %dma_wait3A_681 = tpu.memref_squeeze %dma_wait3A_680 : memref<1x128xi32, #tpu.memory_space<vmem>> -> memref<128xi32, #tpu.memory_space<vmem>>
      %dma_wait3A_682 = arith.constant 0 : i32
      %dma_wait3A_683 = arith.constant 0 : i32
      %dma_wait3A_684 = tpu.memref_slice %arg2[%dma_wait3A_682, %dma_wait3A_683] : memref<100000x128xf32, #tpu.memory_space<hbm>> -> memref<100000x128xf32, #tpu.memory_space<hbm>>
      tpu.wait_indirect_dma semaphore(%arg8 : memref<!tpu.dma_semaphore, #tpu.memory_space<semaphore_mem>>) src(%dma_wait3A_684 : memref<100000x128xf32, #tpu.memory_space<hbm>>) dst(%dma_wait3A_678 : memref<128x128xf32, #tpu.memory_space<vmem>>)
      %add3A_685 = arith.constant 3 : i32
      %add3A_686 = arith.addi %add3A_673, %add3A_685 : i32
      %dma_start3A_687 = arith.constant 4 : i32
      %dma_start3A_688 = arith.constant 0 : i32
      %dma_start3A_689 = arith.constant 0 : i32
      %dma_start3A_690 = tpu.memref_slice %arg6[%dma_start3A_687, %dma_start3A_688, %dma_start3A_689] : memref<5x128x128xf32, #tpu.memory_space<vmem>> -> memref<1x128x128xf32, #tpu.memory_space<vmem>>
      %dma_start3A_691 = tpu.memref_squeeze %dma_start3A_690 : memref<1x128x128xf32, #tpu.memory_space<vmem>> -> memref<128x128xf32, #tpu.memory_space<vmem>>
      %dma_start3A_692 = arith.constant 0 : i32
      %dma_start3A_693 = tpu.memref_slice %arg5[%add3A_686, %dma_start3A_692] : memref<200x128xi32, #tpu.memory_space<vmem>> -> memref<1x128xi32, #tpu.memory_space<vmem>>
      %dma_start3A_694 = tpu.memref_squeeze %dma_start3A_693 : memref<1x128xi32, #tpu.memory_space<vmem>> -> memref<128xi32, #tpu.memory_space<vmem>>
      %dma_start3A_695 = arith.constant 0 : i32
      %dma_start3A_696 = arith.constant 0 : i32
      %dma_start3A_697 = tpu.memref_slice %arg2[%dma_start3A_695, %dma_start3A_696] : memref<100000x128xf32, #tpu.memory_space<hbm>> -> memref<100000x128xf32, #tpu.memory_space<hbm>>
      tpu.enqueue_indirect_dma source(%dma_start3A_697 : memref<100000x128xf32, #tpu.memory_space<hbm>>) target(%dma_start3A_691 : memref<128x128xf32, #tpu.memory_space<vmem>>) offsets(%dma_start3A_694 : memref<128xi32, #tpu.memory_space<vmem>>) semaphore(%arg11 : memref<!tpu.dma_semaphore, #tpu.memory_space<semaphore_mem>>)
      %add3A_698 = arith.constant 100 : i32
      %add3A_699 = arith.addi %add3A_698, %add3A_673 : i32
      %dma_start3A_700 = arith.constant 1 : i32
      %dma_start3A_701 = arith.constant 0 : i32
      %dma_start3A_702 = arith.constant 0 : i32
      %dma_start3A_703 = tpu.memref_slice %arg6[%dma_start3A_700, %dma_start3A_701, %dma_start3A_702] : memref<5x128x128xf32, #tpu.memory_space<vmem>> -> memref<1x128x128xf32, #tpu.memory_space<vmem>>
      %dma_start3A_704 = tpu.memref_squeeze %dma_start3A_703 : memref<1x128x128xf32, #tpu.memory_space<vmem>> -> memref<128x128xf32, #tpu.memory_space<vmem>>
      %dma_start3A_705 = arith.constant 0 : i32
      %dma_start3A_706 = arith.constant 0 : i32
      %dma_start3A_707 = tpu.memref_slice %arg4[%add3A, %add3A_699, %dma_start3A_705, %dma_start3A_706] : memref<32x200x128x128xf32, #tpu.memory_space<hbm>> -> memref<1x1x128x128xf32, #tpu.memory_space<hbm>>
      %dma_start3A_708 = tpu.memref_squeeze %dma_start3A_707 : memref<1x1x128x128xf32, #tpu.memory_space<hbm>> -> memref<128x128xf32, #tpu.memory_space<hbm>>
      %dma_start3A_709 = arith.constant 0 : i32
      %dma_start3A_710 = arith.constant 0 : i32
      %dma_start3A_711 = tpu.memref_slice %arg4[%add3A, %add3A_699, %dma_start3A_709, %dma_start3A_710] : memref<32x200x128x128xf32, #tpu.memory_space<hbm>> -> memref<1x1x128x128xf32, #tpu.memory_space<hbm>>
      %dma_start3A_712 = tpu.memref_squeeze %dma_start3A_711 : memref<1x1x128x128xf32, #tpu.memory_space<hbm>> -> memref<128x128xf32, #tpu.memory_space<hbm>>
      %dma_start3A_713 = arith.constant 0 : i32
      %dma_start3A_714 = arith.constant 0 : i32
      %dma_start3A_715 = tpu.memref_slice %arg6[%dma_start3A_700, %dma_start3A_713, %dma_start3A_714] : memref<5x128x128xf32, #tpu.memory_space<vmem>> -> memref<1x128x128xf32, #tpu.memory_space<vmem>>
      %dma_start3A_716 = tpu.memref_squeeze %dma_start3A_715 : memref<1x128x128xf32, #tpu.memory_space<vmem>> -> memref<128x128xf32, #tpu.memory_space<vmem>>
      tpu.enqueue_dma source(%dma_start3A_716 : memref<128x128xf32, #tpu.memory_space<vmem>>) target(%dma_start3A_712 : memref<128x128xf32, #tpu.memory_space<hbm>>) target_semaphore(%arg13 : memref<!tpu.dma_semaphore, #tpu.memory_space<semaphore_mem>>)
      %add3A_717 = arith.constant 100 : i32
      %add3A_718 = arith.addi %add3A_717, %add3A_673 : i32
      %sub3A_719 = arith.constant 2 : i32
      %sub3A_720 = arith.subi %add3A_718, %sub3A_719 : i32
      %dma_wait3A_721 = arith.constant 4 : i32
      %dma_wait3A_722 = arith.constant 0 : i32
      %dma_wait3A_723 = arith.constant 0 : i32
      %dma_wait3A_724 = tpu.memref_slice %arg6[%dma_wait3A_721, %dma_wait3A_722, %dma_wait3A_723] : memref<5x128x128xf32, #tpu.memory_space<vmem>> -> memref<1x128x128xf32, #tpu.memory_space<vmem>>
      %dma_wait3A_725 = tpu.memref_squeeze %dma_wait3A_724 : memref<1x128x128xf32, #tpu.memory_space<vmem>> -> memref<128x128xf32, #tpu.memory_space<vmem>>
      %dma_wait3A_726 = arith.constant 0 : i32
      %dma_wait3A_727 = arith.constant 0 : i32
      %dma_wait3A_728 = tpu.memref_slice %arg4[%add3A, %sub3A_720, %dma_wait3A_726, %dma_wait3A_727] : memref<32x200x128x128xf32, #tpu.memory_space<hbm>> -> memref<1x1x128x128xf32, #tpu.memory_space<hbm>>
      %dma_wait3A_729 = tpu.memref_squeeze %dma_wait3A_728 : memref<1x1x128x128xf32, #tpu.memory_space<hbm>> -> memref<128x128xf32, #tpu.memory_space<hbm>>
      %dma_wait3A_730 = arith.constant 0 : i32
      %dma_wait3A_731 = arith.constant 0 : i32
      %dma_wait3A_732 = tpu.memref_slice %arg4[%add3A, %sub3A_720, %dma_wait3A_730, %dma_wait3A_731] : memref<32x200x128x128xf32, #tpu.memory_space<hbm>> -> memref<1x1x128x128xf32, #tpu.memory_space<hbm>>
      %dma_wait3A_733 = tpu.memref_squeeze %dma_wait3A_732 : memref<1x1x128x128xf32, #tpu.memory_space<hbm>> -> memref<128x128xf32, #tpu.memory_space<hbm>>
      %dma_wait3A_734 = arith.constant 0 : i32
      %dma_wait3A_735 = arith.constant 0 : i32
      %dma_wait3A_736 = tpu.memref_slice %arg6[%dma_wait3A_721, %dma_wait3A_734, %dma_wait3A_735] : memref<5x128x128xf32, #tpu.memory_space<vmem>> -> memref<1x128x128xf32, #tpu.memory_space<vmem>>
      %dma_wait3A_737 = tpu.memref_squeeze %dma_wait3A_736 : memref<1x128x128xf32, #tpu.memory_space<vmem>> -> memref<128x128xf32, #tpu.memory_space<vmem>>
      tpu.wait_dma2 semaphore(%arg16 : memref<!tpu.dma_semaphore, #tpu.memory_space<semaphore_mem>>) src(%dma_wait3A_737 : memref<128x128xf32, #tpu.memory_space<vmem>>) dst(%dma_wait3A_733 : memref<128x128xf32, #tpu.memory_space<hbm>>)
      %add3A_738 = arith.constant 2 : i32
      %add3A_739 = arith.addi %mul3A_606, %add3A_738 : i32
      %dma_wait3A_740 = arith.constant 2 : i32
      %dma_wait3A_741 = arith.constant 0 : i32
      %dma_wait3A_742 = arith.constant 0 : i32
      %dma_wait3A_743 = tpu.memref_slice %arg6[%dma_wait3A_740, %dma_wait3A_741, %dma_wait3A_742] : memref<5x128x128xf32, #tpu.memory_space<vmem>> -> memref<1x128x128xf32, #tpu.memory_space<vmem>>
      %dma_wait3A_744 = tpu.memref_squeeze %dma_wait3A_743 : memref<1x128x128xf32, #tpu.memory_space<vmem>> -> memref<128x128xf32, #tpu.memory_space<vmem>>
      %dma_wait3A_745 = arith.constant 0 : i32
      %dma_wait3A_746 = tpu.memref_slice %arg5[%add3A_739, %dma_wait3A_745] : memref<200x128xi32, #tpu.memory_space<vmem>> -> memref<1x128xi32, #tpu.memory_space<vmem>>
      %dma_wait3A_747 = tpu.memref_squeeze %dma_wait3A_746 : memref<1x128xi32, #tpu.memory_space<vmem>> -> memref<128xi32, #tpu.memory_space<vmem>>
      %dma_wait3A_748 = arith.constant 0 : i32
      %dma_wait3A_749 = arith.constant 0 : i32
      %dma_wait3A_750 = tpu.memref_slice %arg2[%dma_wait3A_748, %dma_wait3A_749] : memref<100000x128xf32, #tpu.memory_space<hbm>> -> memref<100000x128xf32, #tpu.memory_space<hbm>>
      tpu.wait_indirect_dma semaphore(%arg9 : memref<!tpu.dma_semaphore, #tpu.memory_space<semaphore_mem>>) src(%dma_wait3A_750 : memref<100000x128xf32, #tpu.memory_space<hbm>>) dst(%dma_wait3A_744 : memref<128x128xf32, #tpu.memory_space<vmem>>)
      %add3A_751 = arith.constant 3 : i32
      %add3A_752 = arith.addi %add3A_739, %add3A_751 : i32
      %dma_start3A_753 = arith.constant 0 : i32
      %dma_start3A_754 = arith.constant 0 : i32
      %dma_start3A_755 = arith.constant 0 : i32
      %dma_start3A_756 = tpu.memref_slice %arg6[%dma_start3A_753, %dma_start3A_754, %dma_start3A_755] : memref<5x128x128xf32, #tpu.memory_space<vmem>> -> memref<1x128x128xf32, #tpu.memory_space<vmem>>
      %dma_start3A_757 = tpu.memref_squeeze %dma_start3A_756 : memref<1x128x128xf32, #tpu.memory_space<vmem>> -> memref<128x128xf32, #tpu.memory_space<vmem>>
      %dma_start3A_758 = arith.constant 0 : i32
      %dma_start3A_759 = tpu.memref_slice %arg5[%add3A_752, %dma_start3A_758] : memref<200x128xi32, #tpu.memory_space<vmem>> -> memref<1x128xi32, #tpu.memory_space<vmem>>
      %dma_start3A_760 = tpu.memref_squeeze %dma_start3A_759 : memref<1x128xi32, #tpu.memory_space<vmem>> -> memref<128xi32, #tpu.memory_space<vmem>>
      %dma_start3A_761 = arith.constant 0 : i32
      %dma_start3A_762 = arith.constant 0 : i32
      %dma_start3A_763 = tpu.memref_slice %arg2[%dma_start3A_761, %dma_start3A_762] : memref<100000x128xf32, #tpu.memory_space<hbm>> -> memref<100000x128xf32, #tpu.memory_space<hbm>>
      tpu.enqueue_indirect_dma source(%dma_start3A_763 : memref<100000x128xf32, #tpu.memory_space<hbm>>) target(%dma_start3A_757 : memref<128x128xf32, #tpu.memory_space<vmem>>) offsets(%dma_start3A_760 : memref<128xi32, #tpu.memory_space<vmem>>) semaphore(%arg7 : memref<!tpu.dma_semaphore, #tpu.memory_space<semaphore_mem>>)
      %add3A_764 = arith.constant 100 : i32
      %add3A_765 = arith.addi %add3A_764, %add3A_739 : i32
      %dma_start3A_766 = arith.constant 2 : i32
      %dma_start3A_767 = arith.constant 0 : i32
      %dma_start3A_768 = arith.constant 0 : i32
      %dma_start3A_769 = tpu.memref_slice %arg6[%dma_start3A_766, %dma_start3A_767, %dma_start3A_768] : memref<5x128x128xf32, #tpu.memory_space<vmem>> -> memref<1x128x128xf32, #tpu.memory_space<vmem>>
      %dma_start3A_770 = tpu.memref_squeeze %dma_start3A_769 : memref<1x128x128xf32, #tpu.memory_space<vmem>> -> memref<128x128xf32, #tpu.memory_space<vmem>>
      %dma_start3A_771 = arith.constant 0 : i32
      %dma_start3A_772 = arith.constant 0 : i32
      %dma_start3A_773 = tpu.memref_slice %arg4[%add3A, %add3A_765, %dma_start3A_771, %dma_start3A_772] : memref<32x200x128x128xf32, #tpu.memory_space<hbm>> -> memref<1x1x128x128xf32, #tpu.memory_space<hbm>>
      %dma_start3A_774 = tpu.memref_squeeze %dma_start3A_773 : memref<1x1x128x128xf32, #tpu.memory_space<hbm>> -> memref<128x128xf32, #tpu.memory_space<hbm>>
      %dma_start3A_775 = arith.constant 0 : i32
      %dma_start3A_776 = arith.constant 0 : i32
      %dma_start3A_777 = tpu.memref_slice %arg4[%add3A, %add3A_765, %dma_start3A_775, %dma_start3A_776] : memref<32x200x128x128xf32, #tpu.memory_space<hbm>> -> memref<1x1x128x128xf32, #tpu.memory_space<hbm>>
      %dma_start3A_778 = tpu.memref_squeeze %dma_start3A_777 : memref<1x1x128x128xf32, #tpu.memory_space<hbm>> -> memref<128x128xf32, #tpu.memory_space<hbm>>
      %dma_start3A_779 = arith.constant 0 : i32
      %dma_start3A_780 = arith.constant 0 : i32
      %dma_start3A_781 = tpu.memref_slice %arg6[%dma_start3A_766, %dma_start3A_779, %dma_start3A_780] : memref<5x128x128xf32, #tpu.memory_space<vmem>> -> memref<1x128x128xf32, #tpu.memory_space<vmem>>
      %dma_start3A_782 = tpu.memref_squeeze %dma_start3A_781 : memref<1x128x128xf32, #tpu.memory_space<vmem>> -> memref<128x128xf32, #tpu.memory_space<vmem>>
      tpu.enqueue_dma source(%dma_start3A_782 : memref<128x128xf32, #tpu.memory_space<vmem>>) target(%dma_start3A_778 : memref<128x128xf32, #tpu.memory_space<hbm>>) target_semaphore(%arg14 : memref<!tpu.dma_semaphore, #tpu.memory_space<semaphore_mem>>)
      %add3A_783 = arith.constant 100 : i32
      %add3A_784 = arith.addi %add3A_783, %add3A_739 : i32
      %sub3A_785 = arith.constant 2 : i32
      %sub3A_786 = arith.subi %add3A_784, %sub3A_785 : i32
      %dma_wait3A_787 = arith.constant 0 : i32
      %dma_wait3A_788 = arith.constant 0 : i32
      %dma_wait3A_789 = arith.constant 0 : i32
      %dma_wait3A_790 = tpu.memref_slice %arg6[%dma_wait3A_787, %dma_wait3A_788, %dma_wait3A_789] : memref<5x128x128xf32, #tpu.memory_space<vmem>> -> memref<1x128x128xf32, #tpu.memory_space<vmem>>
      %dma_wait3A_791 = tpu.memref_squeeze %dma_wait3A_790 : memref<1x128x128xf32, #tpu.memory_space<vmem>> -> memref<128x128xf32, #tpu.memory_space<vmem>>
      %dma_wait3A_792 = arith.constant 0 : i32
      %dma_wait3A_793 = arith.constant 0 : i32
      %dma_wait3A_794 = tpu.memref_slice %arg4[%add3A, %sub3A_786, %dma_wait3A_792, %dma_wait3A_793] : memref<32x200x128x128xf32, #tpu.memory_space<hbm>> -> memref<1x1x128x128xf32, #tpu.memory_space<hbm>>
      %dma_wait3A_795 = tpu.memref_squeeze %dma_wait3A_794 : memref<1x1x128x128xf32, #tpu.memory_space<hbm>> -> memref<128x128xf32, #tpu.memory_space<hbm>>
      %dma_wait3A_796 = arith.constant 0 : i32
      %dma_wait3A_797 = arith.constant 0 : i32
      %dma_wait3A_798 = tpu.memref_slice %arg4[%add3A, %sub3A_786, %dma_wait3A_796, %dma_wait3A_797] : memref<32x200x128x128xf32, #tpu.memory_space<hbm>> -> memref<1x1x128x128xf32, #tpu.memory_space<hbm>>
      %dma_wait3A_799 = tpu.memref_squeeze %dma_wait3A_798 : memref<1x1x128x128xf32, #tpu.memory_space<hbm>> -> memref<128x128xf32, #tpu.memory_space<hbm>>
      %dma_wait3A_800 = arith.constant 0 : i32
      %dma_wait3A_801 = arith.constant 0 : i32
      %dma_wait3A_802 = tpu.memref_slice %arg6[%dma_wait3A_787, %dma_wait3A_800, %dma_wait3A_801] : memref<5x128x128xf32, #tpu.memory_space<vmem>> -> memref<1x128x128xf32, #tpu.memory_space<vmem>>
      %dma_wait3A_803 = tpu.memref_squeeze %dma_wait3A_802 : memref<1x128x128xf32, #tpu.memory_space<vmem>> -> memref<128x128xf32, #tpu.memory_space<vmem>>
      tpu.wait_dma2 semaphore(%arg12 : memref<!tpu.dma_semaphore, #tpu.memory_space<semaphore_mem>>) src(%dma_wait3A_803 : memref<128x128xf32, #tpu.memory_space<vmem>>) dst(%dma_wait3A_799 : memref<128x128xf32, #tpu.memory_space<hbm>>)
      %add3A_804 = arith.constant 3 : i32
      %add3A_805 = arith.addi %mul3A_606, %add3A_804 : i32
      %dma_wait3A_806 = arith.constant 3 : i32
      %dma_wait3A_807 = arith.constant 0 : i32
      %dma_wait3A_808 = arith.constant 0 : i32
      %dma_wait3A_809 = tpu.memref_slice %arg6[%dma_wait3A_806, %dma_wait3A_807, %dma_wait3A_808] : memref<5x128x128xf32, #tpu.memory_space<vmem>> -> memref<1x128x128xf32, #tpu.memory_space<vmem>>
      %dma_wait3A_810 = tpu.memref_squeeze %dma_wait3A_809 : memref<1x128x128xf32, #tpu.memory_space<vmem>> -> memref<128x128xf32, #tpu.memory_space<vmem>>
      %dma_wait3A_811 = arith.constant 0 : i32
      %dma_wait3A_812 = tpu.memref_slice %arg5[%add3A_805, %dma_wait3A_811] : memref<200x128xi32, #tpu.memory_space<vmem>> -> memref<1x128xi32, #tpu.memory_space<vmem>>
      %dma_wait3A_813 = tpu.memref_squeeze %dma_wait3A_812 : memref<1x128xi32, #tpu.memory_space<vmem>> -> memref<128xi32, #tpu.memory_space<vmem>>
      %dma_wait3A_814 = arith.constant 0 : i32
      %dma_wait3A_815 = arith.constant 0 : i32
      %dma_wait3A_816 = tpu.memref_slice %arg2[%dma_wait3A_814, %dma_wait3A_815] : memref<100000x128xf32, #tpu.memory_space<hbm>> -> memref<100000x128xf32, #tpu.memory_space<hbm>>
      tpu.wait_indirect_dma semaphore(%arg10 : memref<!tpu.dma_semaphore, #tpu.memory_space<semaphore_mem>>) src(%dma_wait3A_816 : memref<100000x128xf32, #tpu.memory_space<hbm>>) dst(%dma_wait3A_810 : memref<128x128xf32, #tpu.memory_space<vmem>>)
      %add3A_817 = arith.constant 3 : i32
      %add3A_818 = arith.addi %add3A_805, %add3A_817 : i32
      %dma_start3A_819 = arith.constant 1 : i32
      %dma_start3A_820 = arith.constant 0 : i32
      %dma_start3A_821 = arith.constant 0 : i32
      %dma_start3A_822 = tpu.memref_slice %arg6[%dma_start3A_819, %dma_start3A_820, %dma_start3A_821] : memref<5x128x128xf32, #tpu.memory_space<vmem>> -> memref<1x128x128xf32, #tpu.memory_space<vmem>>
      %dma_start3A_823 = tpu.memref_squeeze %dma_start3A_822 : memref<1x128x128xf32, #tpu.memory_space<vmem>> -> memref<128x128xf32, #tpu.memory_space<vmem>>
      %dma_start3A_824 = arith.constant 0 : i32
      %dma_start3A_825 = tpu.memref_slice %arg5[%add3A_818, %dma_start3A_824] : memref<200x128xi32, #tpu.memory_space<vmem>> -> memref<1x128xi32, #tpu.memory_space<vmem>>
      %dma_start3A_826 = tpu.memref_squeeze %dma_start3A_825 : memref<1x128xi32, #tpu.memory_space<vmem>> -> memref<128xi32, #tpu.memory_space<vmem>>
      %dma_start3A_827 = arith.constant 0 : i32
      %dma_start3A_828 = arith.constant 0 : i32
      %dma_start3A_829 = tpu.memref_slice %arg2[%dma_start3A_827, %dma_start3A_828] : memref<100000x128xf32, #tpu.memory_space<hbm>> -> memref<100000x128xf32, #tpu.memory_space<hbm>>
      tpu.enqueue_indirect_dma source(%dma_start3A_829 : memref<100000x128xf32, #tpu.memory_space<hbm>>) target(%dma_start3A_823 : memref<128x128xf32, #tpu.memory_space<vmem>>) offsets(%dma_start3A_826 : memref<128xi32, #tpu.memory_space<vmem>>) semaphore(%arg8 : memref<!tpu.dma_semaphore, #tpu.memory_space<semaphore_mem>>)
      %add3A_830 = arith.constant 100 : i32
      %add3A_831 = arith.addi %add3A_830, %add3A_805 : i32
      %dma_start3A_832 = arith.constant 3 : i32
      %dma_start3A_833 = arith.constant 0 : i32
      %dma_start3A_834 = arith.constant 0 : i32
      %dma_start3A_835 = tpu.memref_slice %arg6[%dma_start3A_832, %dma_start3A_833, %dma_start3A_834] : memref<5x128x128xf32, #tpu.memory_space<vmem>> -> memref<1x128x128xf32, #tpu.memory_space<vmem>>
      %dma_start3A_836 = tpu.memref_squeeze %dma_start3A_835 : memref<1x128x128xf32, #tpu.memory_space<vmem>> -> memref<128x128xf32, #tpu.memory_space<vmem>>
      %dma_start3A_837 = arith.constant 0 : i32
      %dma_start3A_838 = arith.constant 0 : i32
      %dma_start3A_839 = tpu.memref_slice %arg4[%add3A, %add3A_831, %dma_start3A_837, %dma_start3A_838] : memref<32x200x128x128xf32, #tpu.memory_space<hbm>> -> memref<1x1x128x128xf32, #tpu.memory_space<hbm>>
      %dma_start3A_840 = tpu.memref_squeeze %dma_start3A_839 : memref<1x1x128x128xf32, #tpu.memory_space<hbm>> -> memref<128x128xf32, #tpu.memory_space<hbm>>
      %dma_start3A_841 = arith.constant 0 : i32
      %dma_start3A_842 = arith.constant 0 : i32
      %dma_start3A_843 = tpu.memref_slice %arg4[%add3A, %add3A_831, %dma_start3A_841, %dma_start3A_842] : memref<32x200x128x128xf32, #tpu.memory_space<hbm>> -> memref<1x1x128x128xf32, #tpu.memory_space<hbm>>
      %dma_start3A_844 = tpu.memref_squeeze %dma_start3A_843 : memref<1x1x128x128xf32, #tpu.memory_space<hbm>> -> memref<128x128xf32, #tpu.memory_space<hbm>>
      %dma_start3A_845 = arith.constant 0 : i32
      %dma_start3A_846 = arith.constant 0 : i32
      %dma_start3A_847 = tpu.memref_slice %arg6[%dma_start3A_832, %dma_start3A_845, %dma_start3A_846] : memref<5x128x128xf32, #tpu.memory_space<vmem>> -> memref<1x128x128xf32, #tpu.memory_space<vmem>>
      %dma_start3A_848 = tpu.memref_squeeze %dma_start3A_847 : memref<1x128x128xf32, #tpu.memory_space<vmem>> -> memref<128x128xf32, #tpu.memory_space<vmem>>
      tpu.enqueue_dma source(%dma_start3A_848 : memref<128x128xf32, #tpu.memory_space<vmem>>) target(%dma_start3A_844 : memref<128x128xf32, #tpu.memory_space<hbm>>) target_semaphore(%arg15 : memref<!tpu.dma_semaphore, #tpu.memory_space<semaphore_mem>>)
      %add3A_849 = arith.constant 100 : i32
      %add3A_850 = arith.addi %add3A_849, %add3A_805 : i32
      %sub3A_851 = arith.constant 2 : i32
      %sub3A_852 = arith.subi %add3A_850, %sub3A_851 : i32
      %dma_wait3A_853 = arith.constant 1 : i32
      %dma_wait3A_854 = arith.constant 0 : i32
      %dma_wait3A_855 = arith.constant 0 : i32
      %dma_wait3A_856 = tpu.memref_slice %arg6[%dma_wait3A_853, %dma_wait3A_854, %dma_wait3A_855] : memref<5x128x128xf32, #tpu.memory_space<vmem>> -> memref<1x128x128xf32, #tpu.memory_space<vmem>>
      %dma_wait3A_857 = tpu.memref_squeeze %dma_wait3A_856 : memref<1x128x128xf32, #tpu.memory_space<vmem>> -> memref<128x128xf32, #tpu.memory_space<vmem>>
      %dma_wait3A_858 = arith.constant 0 : i32
      %dma_wait3A_859 = arith.constant 0 : i32
      %dma_wait3A_860 = tpu.memref_slice %arg4[%add3A, %sub3A_852, %dma_wait3A_858, %dma_wait3A_859] : memref<32x200x128x128xf32, #tpu.memory_space<hbm>> -> memref<1x1x128x128xf32, #tpu.memory_space<hbm>>
      %dma_wait3A_861 = tpu.memref_squeeze %dma_wait3A_860 : memref<1x1x128x128xf32, #tpu.memory_space<hbm>> -> memref<128x128xf32, #tpu.memory_space<hbm>>
      %dma_wait3A_862 = arith.constant 0 : i32
      %dma_wait3A_863 = arith.constant 0 : i32
      %dma_wait3A_864 = tpu.memref_slice %arg4[%add3A, %sub3A_852, %dma_wait3A_862, %dma_wait3A_863] : memref<32x200x128x128xf32, #tpu.memory_space<hbm>> -> memref<1x1x128x128xf32, #tpu.memory_space<hbm>>
      %dma_wait3A_865 = tpu.memref_squeeze %dma_wait3A_864 : memref<1x1x128x128xf32, #tpu.memory_space<hbm>> -> memref<128x128xf32, #tpu.memory_space<hbm>>
      %dma_wait3A_866 = arith.constant 0 : i32
      %dma_wait3A_867 = arith.constant 0 : i32
      %dma_wait3A_868 = tpu.memref_slice %arg6[%dma_wait3A_853, %dma_wait3A_866, %dma_wait3A_867] : memref<5x128x128xf32, #tpu.memory_space<vmem>> -> memref<1x128x128xf32, #tpu.memory_space<vmem>>
      %dma_wait3A_869 = tpu.memref_squeeze %dma_wait3A_868 : memref<1x128x128xf32, #tpu.memory_space<vmem>> -> memref<128x128xf32, #tpu.memory_space<vmem>>
      tpu.wait_dma2 semaphore(%arg13 : memref<!tpu.dma_semaphore, #tpu.memory_space<semaphore_mem>>) src(%dma_wait3A_869 : memref<128x128xf32, #tpu.memory_space<vmem>>) dst(%dma_wait3A_865 : memref<128x128xf32, #tpu.memory_space<hbm>>)
      %add3A_870 = arith.constant 4 : i32
      %add3A_871 = arith.addi %mul3A_606, %add3A_870 : i32
      %dma_wait3A_872 = arith.constant 4 : i32
      %dma_wait3A_873 = arith.constant 0 : i32
      %dma_wait3A_874 = arith.constant 0 : i32
      %dma_wait3A_875 = tpu.memref_slice %arg6[%dma_wait3A_872, %dma_wait3A_873, %dma_wait3A_874] : memref<5x128x128xf32, #tpu.memory_space<vmem>> -> memref<1x128x128xf32, #tpu.memory_space<vmem>>
      %dma_wait3A_876 = tpu.memref_squeeze %dma_wait3A_875 : memref<1x128x128xf32, #tpu.memory_space<vmem>> -> memref<128x128xf32, #tpu.memory_space<vmem>>
      %dma_wait3A_877 = arith.constant 0 : i32
      %dma_wait3A_878 = tpu.memref_slice %arg5[%add3A_871, %dma_wait3A_877] : memref<200x128xi32, #tpu.memory_space<vmem>> -> memref<1x128xi32, #tpu.memory_space<vmem>>
      %dma_wait3A_879 = tpu.memref_squeeze %dma_wait3A_878 : memref<1x128xi32, #tpu.memory_space<vmem>> -> memref<128xi32, #tpu.memory_space<vmem>>
      %dma_wait3A_880 = arith.constant 0 : i32
      %dma_wait3A_881 = arith.constant 0 : i32
      %dma_wait3A_882 = tpu.memref_slice %arg2[%dma_wait3A_880, %dma_wait3A_881] : memref<100000x128xf32, #tpu.memory_space<hbm>> -> memref<100000x128xf32, #tpu.memory_space<hbm>>
      tpu.wait_indirect_dma semaphore(%arg11 : memref<!tpu.dma_semaphore, #tpu.memory_space<semaphore_mem>>) src(%dma_wait3A_882 : memref<100000x128xf32, #tpu.memory_space<hbm>>) dst(%dma_wait3A_876 : memref<128x128xf32, #tpu.memory_space<vmem>>)
      %add3A_883 = arith.constant 3 : i32
      %add3A_884 = arith.addi %add3A_871, %add3A_883 : i32
      %dma_start3A_885 = arith.constant 2 : i32
      %dma_start3A_886 = arith.constant 0 : i32
      %dma_start3A_887 = arith.constant 0 : i32
      %dma_start3A_888 = tpu.memref_slice %arg6[%dma_start3A_885, %dma_start3A_886, %dma_start3A_887] : memref<5x128x128xf32, #tpu.memory_space<vmem>> -> memref<1x128x128xf32, #tpu.memory_space<vmem>>
      %dma_start3A_889 = tpu.memref_squeeze %dma_start3A_888 : memref<1x128x128xf32, #tpu.memory_space<vmem>> -> memref<128x128xf32, #tpu.memory_space<vmem>>
      %dma_start3A_890 = arith.constant 0 : i32
      %dma_start3A_891 = tpu.memref_slice %arg5[%add3A_884, %dma_start3A_890] : memref<200x128xi32, #tpu.memory_space<vmem>> -> memref<1x128xi32, #tpu.memory_space<vmem>>
      %dma_start3A_892 = tpu.memref_squeeze %dma_start3A_891 : memref<1x128xi32, #tpu.memory_space<vmem>> -> memref<128xi32, #tpu.memory_space<vmem>>
      %dma_start3A_893 = arith.constant 0 : i32
      %dma_start3A_894 = arith.constant 0 : i32
      %dma_start3A_895 = tpu.memref_slice %arg2[%dma_start3A_893, %dma_start3A_894] : memref<100000x128xf32, #tpu.memory_space<hbm>> -> memref<100000x128xf32, #tpu.memory_space<hbm>>
      tpu.enqueue_indirect_dma source(%dma_start3A_895 : memref<100000x128xf32, #tpu.memory_space<hbm>>) target(%dma_start3A_889 : memref<128x128xf32, #tpu.memory_space<vmem>>) offsets(%dma_start3A_892 : memref<128xi32, #tpu.memory_space<vmem>>) semaphore(%arg9 : memref<!tpu.dma_semaphore, #tpu.memory_space<semaphore_mem>>)
      %add3A_896 = arith.constant 100 : i32
      %add3A_897 = arith.addi %add3A_896, %add3A_871 : i32
      %dma_start3A_898 = arith.constant 4 : i32
      %dma_start3A_899 = arith.constant 0 : i32
      %dma_start3A_900 = arith.constant 0 : i32
      %dma_start3A_901 = tpu.memref_slice %arg6[%dma_start3A_898, %dma_start3A_899, %dma_start3A_900] : memref<5x128x128xf32, #tpu.memory_space<vmem>> -> memref<1x128x128xf32, #tpu.memory_space<vmem>>
      %dma_start3A_902 = tpu.memref_squeeze %dma_start3A_901 : memref<1x128x128xf32, #tpu.memory_space<vmem>> -> memref<128x128xf32, #tpu.memory_space<vmem>>
      %dma_start3A_903 = arith.constant 0 : i32
      %dma_start3A_904 = arith.constant 0 : i32
      %dma_start3A_905 = tpu.memref_slice %arg4[%add3A, %add3A_897, %dma_start3A_903, %dma_start3A_904] : memref<32x200x128x128xf32, #tpu.memory_space<hbm>> -> memref<1x1x128x128xf32, #tpu.memory_space<hbm>>
      %dma_start3A_906 = tpu.memref_squeeze %dma_start3A_905 : memref<1x1x128x128xf32, #tpu.memory_space<hbm>> -> memref<128x128xf32, #tpu.memory_space<hbm>>
      %dma_start3A_907 = arith.constant 0 : i32
      %dma_start3A_908 = arith.constant 0 : i32
      %dma_start3A_909 = tpu.memref_slice %arg4[%add3A, %add3A_897, %dma_start3A_907, %dma_start3A_908] : memref<32x200x128x128xf32, #tpu.memory_space<hbm>> -> memref<1x1x128x128xf32, #tpu.memory_space<hbm>>
      %dma_start3A_910 = tpu.memref_squeeze %dma_start3A_909 : memref<1x1x128x128xf32, #tpu.memory_space<hbm>> -> memref<128x128xf32, #tpu.memory_space<hbm>>
      %dma_start3A_911 = arith.constant 0 : i32
      %dma_start3A_912 = arith.constant 0 : i32
      %dma_start3A_913 = tpu.memref_slice %arg6[%dma_start3A_898, %dma_start3A_911, %dma_start3A_912] : memref<5x128x128xf32, #tpu.memory_space<vmem>> -> memref<1x128x128xf32, #tpu.memory_space<vmem>>
      %dma_start3A_914 = tpu.memref_squeeze %dma_start3A_913 : memref<1x128x128xf32, #tpu.memory_space<vmem>> -> memref<128x128xf32, #tpu.memory_space<vmem>>
      tpu.enqueue_dma source(%dma_start3A_914 : memref<128x128xf32, #tpu.memory_space<vmem>>) target(%dma_start3A_910 : memref<128x128xf32, #tpu.memory_space<hbm>>) target_semaphore(%arg16 : memref<!tpu.dma_semaphore, #tpu.memory_space<semaphore_mem>>)
      %add3A_915 = arith.constant 100 : i32
      %add3A_916 = arith.addi %add3A_915, %add3A_871 : i32
      %sub3A_917 = arith.constant 2 : i32
      %sub3A_918 = arith.subi %add3A_916, %sub3A_917 : i32
      %dma_wait3A_919 = arith.constant 2 : i32
      %dma_wait3A_920 = arith.constant 0 : i32
      %dma_wait3A_921 = arith.constant 0 : i32
      %dma_wait3A_922 = tpu.memref_slice %arg6[%dma_wait3A_919, %dma_wait3A_920, %dma_wait3A_921] : memref<5x128x128xf32, #tpu.memory_space<vmem>> -> memref<1x128x128xf32, #tpu.memory_space<vmem>>
      %dma_wait3A_923 = tpu.memref_squeeze %dma_wait3A_922 : memref<1x128x128xf32, #tpu.memory_space<vmem>> -> memref<128x128xf32, #tpu.memory_space<vmem>>
      %dma_wait3A_924 = arith.constant 0 : i32
      %dma_wait3A_925 = arith.constant 0 : i32
      %dma_wait3A_926 = tpu.memref_slice %arg4[%add3A, %sub3A_918, %dma_wait3A_924, %dma_wait3A_925] : memref<32x200x128x128xf32, #tpu.memory_space<hbm>> -> memref<1x1x128x128xf32, #tpu.memory_space<hbm>>
      %dma_wait3A_927 = tpu.memref_squeeze %dma_wait3A_926 : memref<1x1x128x128xf32, #tpu.memory_space<hbm>> -> memref<128x128xf32, #tpu.memory_space<hbm>>
      %dma_wait3A_928 = arith.constant 0 : i32
      %dma_wait3A_929 = arith.constant 0 : i32
      %dma_wait3A_930 = tpu.memref_slice %arg4[%add3A, %sub3A_918, %dma_wait3A_928, %dma_wait3A_929] : memref<32x200x128x128xf32, #tpu.memory_space<hbm>> -> memref<1x1x128x128xf32, #tpu.memory_space<hbm>>
      %dma_wait3A_931 = tpu.memref_squeeze %dma_wait3A_930 : memref<1x1x128x128xf32, #tpu.memory_space<hbm>> -> memref<128x128xf32, #tpu.memory_space<hbm>>
      %dma_wait3A_932 = arith.constant 0 : i32
      %dma_wait3A_933 = arith.constant 0 : i32
      %dma_wait3A_934 = tpu.memref_slice %arg6[%dma_wait3A_919, %dma_wait3A_932, %dma_wait3A_933] : memref<5x128x128xf32, #tpu.memory_space<vmem>> -> memref<1x128x128xf32, #tpu.memory_space<vmem>>
      %dma_wait3A_935 = tpu.memref_squeeze %dma_wait3A_934 : memref<1x128x128xf32, #tpu.memory_space<vmem>> -> memref<128x128xf32, #tpu.memory_space<vmem>>
      tpu.wait_dma2 semaphore(%arg14 : memref<!tpu.dma_semaphore, #tpu.memory_space<semaphore_mem>>) src(%dma_wait3A_935 : memref<128x128xf32, #tpu.memory_space<vmem>>) dst(%dma_wait3A_931 : memref<128x128xf32, #tpu.memory_space<hbm>>)
    }
    %scan3A_303 = arith.constant 18 : i32
    %dma_wait3A_304 = arith.constant 95 : i32
    %dma_wait3A_305 = arith.constant 0 : i32
    %dma_wait3A_306 = arith.constant 0 : i32
    %dma_wait3A_307 = arith.constant 0 : i32
    %dma_wait3A_308 = tpu.memref_slice %arg6[%dma_wait3A_305, %dma_wait3A_306, %dma_wait3A_307] : memref<5x128x128xf32, #tpu.memory_space<vmem>> -> memref<1x128x128xf32, #tpu.memory_space<vmem>>
    %dma_wait3A_309 = tpu.memref_squeeze %dma_wait3A_308 : memref<1x128x128xf32, #tpu.memory_space<vmem>> -> memref<128x128xf32, #tpu.memory_space<vmem>>
    %dma_wait3A_310 = arith.constant 0 : i32
    %dma_wait3A_311 = tpu.memref_slice %arg5[%dma_wait3A_304, %dma_wait3A_310] : memref<200x128xi32, #tpu.memory_space<vmem>> -> memref<1x128xi32, #tpu.memory_space<vmem>>
    %dma_wait3A_312 = tpu.memref_squeeze %dma_wait3A_311 : memref<1x128xi32, #tpu.memory_space<vmem>> -> memref<128xi32, #tpu.memory_space<vmem>>
    %dma_wait3A_313 = arith.constant 0 : i32
    %dma_wait3A_314 = arith.constant 0 : i32
    %dma_wait3A_315 = tpu.memref_slice %arg2[%dma_wait3A_313, %dma_wait3A_314] : memref<100000x128xf32, #tpu.memory_space<hbm>> -> memref<100000x128xf32, #tpu.memory_space<hbm>>
    tpu.wait_indirect_dma semaphore(%arg7 : memref<!tpu.dma_semaphore, #tpu.memory_space<semaphore_mem>>) src(%dma_wait3A_315 : memref<100000x128xf32, #tpu.memory_space<hbm>>) dst(%dma_wait3A_309 : memref<128x128xf32, #tpu.memory_space<vmem>>)
    %dma_start3A_316 = arith.constant 98 : i32
    %dma_start3A_317 = arith.constant 3 : i32
    %dma_start3A_318 = arith.constant 0 : i32
    %dma_start3A_319 = arith.constant 0 : i32
    %dma_start3A_320 = tpu.memref_slice %arg6[%dma_start3A_317, %dma_start3A_318, %dma_start3A_319] : memref<5x128x128xf32, #tpu.memory_space<vmem>> -> memref<1x128x128xf32, #tpu.memory_space<vmem>>
    %dma_start3A_321 = tpu.memref_squeeze %dma_start3A_320 : memref<1x128x128xf32, #tpu.memory_space<vmem>> -> memref<128x128xf32, #tpu.memory_space<vmem>>
    %dma_start3A_322 = arith.constant 0 : i32
    %dma_start3A_323 = tpu.memref_slice %arg5[%dma_start3A_316, %dma_start3A_322] : memref<200x128xi32, #tpu.memory_space<vmem>> -> memref<1x128xi32, #tpu.memory_space<vmem>>
    %dma_start3A_324 = tpu.memref_squeeze %dma_start3A_323 : memref<1x128xi32, #tpu.memory_space<vmem>> -> memref<128xi32, #tpu.memory_space<vmem>>
    %dma_start3A_325 = arith.constant 0 : i32
    %dma_start3A_326 = arith.constant 0 : i32
    %dma_start3A_327 = tpu.memref_slice %arg2[%dma_start3A_325, %dma_start3A_326] : memref<100000x128xf32, #tpu.memory_space<hbm>> -> memref<100000x128xf32, #tpu.memory_space<hbm>>
    tpu.enqueue_indirect_dma source(%dma_start3A_327 : memref<100000x128xf32, #tpu.memory_space<hbm>>) target(%dma_start3A_321 : memref<128x128xf32, #tpu.memory_space<vmem>>) offsets(%dma_start3A_324 : memref<128xi32, #tpu.memory_space<vmem>>) semaphore(%arg10 : memref<!tpu.dma_semaphore, #tpu.memory_space<semaphore_mem>>)
    %dma_start3A_328 = arith.constant 0 : i32
    %dma_start3A_329 = arith.constant 195 : i32
    %dma_start3A_330 = arith.constant 0 : i32
    %dma_start3A_331 = arith.constant 0 : i32
    %dma_start3A_332 = tpu.memref_slice %arg6[%dma_start3A_328, %dma_start3A_330, %dma_start3A_331] : memref<5x128x128xf32, #tpu.memory_space<vmem>> -> memref<1x128x128xf32, #tpu.memory_space<vmem>>
    %dma_start3A_333 = tpu.memref_squeeze %dma_start3A_332 : memref<1x128x128xf32, #tpu.memory_space<vmem>> -> memref<128x128xf32, #tpu.memory_space<vmem>>
    %dma_start3A_334 = arith.constant 0 : i32
    %dma_start3A_335 = arith.constant 0 : i32
    %dma_start3A_336 = tpu.memref_slice %arg4[%add3A, %dma_start3A_329, %dma_start3A_334, %dma_start3A_335] : memref<32x200x128x128xf32, #tpu.memory_space<hbm>> -> memref<1x1x128x128xf32, #tpu.memory_space<hbm>>
    %dma_start3A_337 = tpu.memref_squeeze %dma_start3A_336 : memref<1x1x128x128xf32, #tpu.memory_space<hbm>> -> memref<128x128xf32, #tpu.memory_space<hbm>>
    %dma_start3A_338 = arith.constant 0 : i32
    %dma_start3A_339 = arith.constant 0 : i32
    %dma_start3A_340 = tpu.memref_slice %arg4[%add3A, %dma_start3A_329, %dma_start3A_338, %dma_start3A_339] : memref<32x200x128x128xf32, #tpu.memory_space<hbm>> -> memref<1x1x128x128xf32, #tpu.memory_space<hbm>>
    %dma_start3A_341 = tpu.memref_squeeze %dma_start3A_340 : memref<1x1x128x128xf32, #tpu.memory_space<hbm>> -> memref<128x128xf32, #tpu.memory_space<hbm>>
    %dma_start3A_342 = arith.constant 0 : i32
    %dma_start3A_343 = arith.constant 0 : i32
    %dma_start3A_344 = tpu.memref_slice %arg6[%dma_start3A_328, %dma_start3A_342, %dma_start3A_343] : memref<5x128x128xf32, #tpu.memory_space<vmem>> -> memref<1x128x128xf32, #tpu.memory_space<vmem>>
    %dma_start3A_345 = tpu.memref_squeeze %dma_start3A_344 : memref<1x128x128xf32, #tpu.memory_space<vmem>> -> memref<128x128xf32, #tpu.memory_space<vmem>>
    tpu.enqueue_dma source(%dma_start3A_345 : memref<128x128xf32, #tpu.memory_space<vmem>>) target(%dma_start3A_341 : memref<128x128xf32, #tpu.memory_space<hbm>>) target_semaphore(%arg12 : memref<!tpu.dma_semaphore, #tpu.memory_space<semaphore_mem>>)
    %dma_wait3A_346 = arith.constant 3 : i32
    %dma_wait3A_347 = arith.constant 193 : i32
    %dma_wait3A_348 = arith.constant 0 : i32
    %dma_wait3A_349 = arith.constant 0 : i32
    %dma_wait3A_350 = tpu.memref_slice %arg6[%dma_wait3A_346, %dma_wait3A_348, %dma_wait3A_349] : memref<5x128x128xf32, #tpu.memory_space<vmem>> -> memref<1x128x128xf32, #tpu.memory_space<vmem>>
    %dma_wait3A_351 = tpu.memref_squeeze %dma_wait3A_350 : memref<1x128x128xf32, #tpu.memory_space<vmem>> -> memref<128x128xf32, #tpu.memory_space<vmem>>
    %dma_wait3A_352 = arith.constant 0 : i32
    %dma_wait3A_353 = arith.constant 0 : i32
    %dma_wait3A_354 = tpu.memref_slice %arg4[%add3A, %dma_wait3A_347, %dma_wait3A_352, %dma_wait3A_353] : memref<32x200x128x128xf32, #tpu.memory_space<hbm>> -> memref<1x1x128x128xf32, #tpu.memory_space<hbm>>
    %dma_wait3A_355 = tpu.memref_squeeze %dma_wait3A_354 : memref<1x1x128x128xf32, #tpu.memory_space<hbm>> -> memref<128x128xf32, #tpu.memory_space<hbm>>
    %dma_wait3A_356 = arith.constant 0 : i32
    %dma_wait3A_357 = arith.constant 0 : i32
    %dma_wait3A_358 = tpu.memref_slice %arg4[%add3A, %dma_wait3A_347, %dma_wait3A_356, %dma_wait3A_357] : memref<32x200x128x128xf32, #tpu.memory_space<hbm>> -> memref<1x1x128x128xf32, #tpu.memory_space<hbm>>
    %dma_wait3A_359 = tpu.memref_squeeze %dma_wait3A_358 : memref<1x1x128x128xf32, #tpu.memory_space<hbm>> -> memref<128x128xf32, #tpu.memory_space<hbm>>
    %dma_wait3A_360 = arith.constant 0 : i32
    %dma_wait3A_361 = arith.constant 0 : i32
    %dma_wait3A_362 = tpu.memref_slice %arg6[%dma_wait3A_346, %dma_wait3A_360, %dma_wait3A_361] : memref<5x128x128xf32, #tpu.memory_space<vmem>> -> memref<1x128x128xf32, #tpu.memory_space<vmem>>
    %dma_wait3A_363 = tpu.memref_squeeze %dma_wait3A_362 : memref<1x128x128xf32, #tpu.memory_space<vmem>> -> memref<128x128xf32, #tpu.memory_space<vmem>>
    tpu.wait_dma2 semaphore(%arg15 : memref<!tpu.dma_semaphore, #tpu.memory_space<semaphore_mem>>) src(%dma_wait3A_363 : memref<128x128xf32, #tpu.memory_space<vmem>>) dst(%dma_wait3A_359 : memref<128x128xf32, #tpu.memory_space<hbm>>)
    %dma_wait3A_364 = arith.constant 96 : i32
    %dma_wait3A_365 = arith.constant 1 : i32
    %dma_wait3A_366 = arith.constant 0 : i32
    %dma_wait3A_367 = arith.constant 0 : i32
    %dma_wait3A_368 = tpu.memref_slice %arg6[%dma_wait3A_365, %dma_wait3A_366, %dma_wait3A_367] : memref<5x128x128xf32, #tpu.memory_space<vmem>> -> memref<1x128x128xf32, #tpu.memory_space<vmem>>
    %dma_wait3A_369 = tpu.memref_squeeze %dma_wait3A_368 : memref<1x128x128xf32, #tpu.memory_space<vmem>> -> memref<128x128xf32, #tpu.memory_space<vmem>>
    %dma_wait3A_370 = arith.constant 0 : i32
    %dma_wait3A_371 = tpu.memref_slice %arg5[%dma_wait3A_364, %dma_wait3A_370] : memref<200x128xi32, #tpu.memory_space<vmem>> -> memref<1x128xi32, #tpu.memory_space<vmem>>
    %dma_wait3A_372 = tpu.memref_squeeze %dma_wait3A_371 : memref<1x128xi32, #tpu.memory_space<vmem>> -> memref<128xi32, #tpu.memory_space<vmem>>
    %dma_wait3A_373 = arith.constant 0 : i32
    %dma_wait3A_374 = arith.constant 0 : i32
    %dma_wait3A_375 = tpu.memref_slice %arg2[%dma_wait3A_373, %dma_wait3A_374] : memref<100000x128xf32, #tpu.memory_space<hbm>> -> memref<100000x128xf32, #tpu.memory_space<hbm>>
    tpu.wait_indirect_dma semaphore(%arg8 : memref<!tpu.dma_semaphore, #tpu.memory_space<semaphore_mem>>) src(%dma_wait3A_375 : memref<100000x128xf32, #tpu.memory_space<hbm>>) dst(%dma_wait3A_369 : memref<128x128xf32, #tpu.memory_space<vmem>>)
    %dma_start3A_376 = arith.constant 99 : i32
    %dma_start3A_377 = arith.constant 4 : i32
    %dma_start3A_378 = arith.constant 0 : i32
    %dma_start3A_379 = arith.constant 0 : i32
    %dma_start3A_380 = tpu.memref_slice %arg6[%dma_start3A_377, %dma_start3A_378, %dma_start3A_379] : memref<5x128x128xf32, #tpu.memory_space<vmem>> -> memref<1x128x128xf32, #tpu.memory_space<vmem>>
    %dma_start3A_381 = tpu.memref_squeeze %dma_start3A_380 : memref<1x128x128xf32, #tpu.memory_space<vmem>> -> memref<128x128xf32, #tpu.memory_space<vmem>>
    %dma_start3A_382 = arith.constant 0 : i32
    %dma_start3A_383 = tpu.memref_slice %arg5[%dma_start3A_376, %dma_start3A_382] : memref<200x128xi32, #tpu.memory_space<vmem>> -> memref<1x128xi32, #tpu.memory_space<vmem>>
    %dma_start3A_384 = tpu.memref_squeeze %dma_start3A_383 : memref<1x128xi32, #tpu.memory_space<vmem>> -> memref<128xi32, #tpu.memory_space<vmem>>
    %dma_start3A_385 = arith.constant 0 : i32
    %dma_start3A_386 = arith.constant 0 : i32
    %dma_start3A_387 = tpu.memref_slice %arg2[%dma_start3A_385, %dma_start3A_386] : memref<100000x128xf32, #tpu.memory_space<hbm>> -> memref<100000x128xf32, #tpu.memory_space<hbm>>
    tpu.enqueue_indirect_dma source(%dma_start3A_387 : memref<100000x128xf32, #tpu.memory_space<hbm>>) target(%dma_start3A_381 : memref<128x128xf32, #tpu.memory_space<vmem>>) offsets(%dma_start3A_384 : memref<128xi32, #tpu.memory_space<vmem>>) semaphore(%arg11 : memref<!tpu.dma_semaphore, #tpu.memory_space<semaphore_mem>>)
    %dma_start3A_388 = arith.constant 1 : i32
    %dma_start3A_389 = arith.constant 196 : i32
    %dma_start3A_390 = arith.constant 0 : i32
    %dma_start3A_391 = arith.constant 0 : i32
    %dma_start3A_392 = tpu.memref_slice %arg6[%dma_start3A_388, %dma_start3A_390, %dma_start3A_391] : memref<5x128x128xf32, #tpu.memory_space<vmem>> -> memref<1x128x128xf32, #tpu.memory_space<vmem>>
    %dma_start3A_393 = tpu.memref_squeeze %dma_start3A_392 : memref<1x128x128xf32, #tpu.memory_space<vmem>> -> memref<128x128xf32, #tpu.memory_space<vmem>>
    %dma_start3A_394 = arith.constant 0 : i32
    %dma_start3A_395 = arith.constant 0 : i32
    %dma_start3A_396 = tpu.memref_slice %arg4[%add3A, %dma_start3A_389, %dma_start3A_394, %dma_start3A_395] : memref<32x200x128x128xf32, #tpu.memory_space<hbm>> -> memref<1x1x128x128xf32, #tpu.memory_space<hbm>>
    %dma_start3A_397 = tpu.memref_squeeze %dma_start3A_396 : memref<1x1x128x128xf32, #tpu.memory_space<hbm>> -> memref<128x128xf32, #tpu.memory_space<hbm>>
    %dma_start3A_398 = arith.constant 0 : i32
    %dma_start3A_399 = arith.constant 0 : i32
    %dma_start3A_400 = tpu.memref_slice %arg4[%add3A, %dma_start3A_389, %dma_start3A_398, %dma_start3A_399] : memref<32x200x128x128xf32, #tpu.memory_space<hbm>> -> memref<1x1x128x128xf32, #tpu.memory_space<hbm>>
    %dma_start3A_401 = tpu.memref_squeeze %dma_start3A_400 : memref<1x1x128x128xf32, #tpu.memory_space<hbm>> -> memref<128x128xf32, #tpu.memory_space<hbm>>
    %dma_start3A_402 = arith.constant 0 : i32
    %dma_start3A_403 = arith.constant 0 : i32
    %dma_start3A_404 = tpu.memref_slice %arg6[%dma_start3A_388, %dma_start3A_402, %dma_start3A_403] : memref<5x128x128xf32, #tpu.memory_space<vmem>> -> memref<1x128x128xf32, #tpu.memory_space<vmem>>
    %dma_start3A_405 = tpu.memref_squeeze %dma_start3A_404 : memref<1x128x128xf32, #tpu.memory_space<vmem>> -> memref<128x128xf32, #tpu.memory_space<vmem>>
    tpu.enqueue_dma source(%dma_start3A_405 : memref<128x128xf32, #tpu.memory_space<vmem>>) target(%dma_start3A_401 : memref<128x128xf32, #tpu.memory_space<hbm>>) target_semaphore(%arg13 : memref<!tpu.dma_semaphore, #tpu.memory_space<semaphore_mem>>)
    %dma_wait3A_406 = arith.constant 4 : i32
    %dma_wait3A_407 = arith.constant 194 : i32
    %dma_wait3A_408 = arith.constant 0 : i32
    %dma_wait3A_409 = arith.constant 0 : i32
    %dma_wait3A_410 = tpu.memref_slice %arg6[%dma_wait3A_406, %dma_wait3A_408, %dma_wait3A_409] : memref<5x128x128xf32, #tpu.memory_space<vmem>> -> memref<1x128x128xf32, #tpu.memory_space<vmem>>
    %dma_wait3A_411 = tpu.memref_squeeze %dma_wait3A_410 : memref<1x128x128xf32, #tpu.memory_space<vmem>> -> memref<128x128xf32, #tpu.memory_space<vmem>>
    %dma_wait3A_412 = arith.constant 0 : i32
    %dma_wait3A_413 = arith.constant 0 : i32
    %dma_wait3A_414 = tpu.memref_slice %arg4[%add3A, %dma_wait3A_407, %dma_wait3A_412, %dma_wait3A_413] : memref<32x200x128x128xf32, #tpu.memory_space<hbm>> -> memref<1x1x128x128xf32, #tpu.memory_space<hbm>>
    %dma_wait3A_415 = tpu.memref_squeeze %dma_wait3A_414 : memref<1x1x128x128xf32, #tpu.memory_space<hbm>> -> memref<128x128xf32, #tpu.memory_space<hbm>>
    %dma_wait3A_416 = arith.constant 0 : i32
    %dma_wait3A_417 = arith.constant 0 : i32
    %dma_wait3A_418 = tpu.memref_slice %arg4[%add3A, %dma_wait3A_407, %dma_wait3A_416, %dma_wait3A_417] : memref<32x200x128x128xf32, #tpu.memory_space<hbm>> -> memref<1x1x128x128xf32, #tpu.memory_space<hbm>>
    %dma_wait3A_419 = tpu.memref_squeeze %dma_wait3A_418 : memref<1x1x128x128xf32, #tpu.memory_space<hbm>> -> memref<128x128xf32, #tpu.memory_space<hbm>>
    %dma_wait3A_420 = arith.constant 0 : i32
    %dma_wait3A_421 = arith.constant 0 : i32
    %dma_wait3A_422 = tpu.memref_slice %arg6[%dma_wait3A_406, %dma_wait3A_420, %dma_wait3A_421] : memref<5x128x128xf32, #tpu.memory_space<vmem>> -> memref<1x128x128xf32, #tpu.memory_space<vmem>>
    %dma_wait3A_423 = tpu.memref_squeeze %dma_wait3A_422 : memref<1x128x128xf32, #tpu.memory_space<vmem>> -> memref<128x128xf32, #tpu.memory_space<vmem>>
    tpu.wait_dma2 semaphore(%arg16 : memref<!tpu.dma_semaphore, #tpu.memory_space<semaphore_mem>>) src(%dma_wait3A_423 : memref<128x128xf32, #tpu.memory_space<vmem>>) dst(%dma_wait3A_419 : memref<128x128xf32, #tpu.memory_space<hbm>>)
    %dma_wait3A_424 = arith.constant 97 : i32
    %dma_wait3A_425 = arith.constant 2 : i32
    %dma_wait3A_426 = arith.constant 0 : i32
    %dma_wait3A_427 = arith.constant 0 : i32
    %dma_wait3A_428 = tpu.memref_slice %arg6[%dma_wait3A_425, %dma_wait3A_426, %dma_wait3A_427] : memref<5x128x128xf32, #tpu.memory_space<vmem>> -> memref<1x128x128xf32, #tpu.memory_space<vmem>>
    %dma_wait3A_429 = tpu.memref_squeeze %dma_wait3A_428 : memref<1x128x128xf32, #tpu.memory_space<vmem>> -> memref<128x128xf32, #tpu.memory_space<vmem>>
    %dma_wait3A_430 = arith.constant 0 : i32
    %dma_wait3A_431 = tpu.memref_slice %arg5[%dma_wait3A_424, %dma_wait3A_430] : memref<200x128xi32, #tpu.memory_space<vmem>> -> memref<1x128xi32, #tpu.memory_space<vmem>>
    %dma_wait3A_432 = tpu.memref_squeeze %dma_wait3A_431 : memref<1x128xi32, #tpu.memory_space<vmem>> -> memref<128xi32, #tpu.memory_space<vmem>>
    %dma_wait3A_433 = arith.constant 0 : i32
    %dma_wait3A_434 = arith.constant 0 : i32
    %dma_wait3A_435 = tpu.memref_slice %arg2[%dma_wait3A_433, %dma_wait3A_434] : memref<100000x128xf32, #tpu.memory_space<hbm>> -> memref<100000x128xf32, #tpu.memory_space<hbm>>
    tpu.wait_indirect_dma semaphore(%arg9 : memref<!tpu.dma_semaphore, #tpu.memory_space<semaphore_mem>>) src(%dma_wait3A_435 : memref<100000x128xf32, #tpu.memory_space<hbm>>) dst(%dma_wait3A_429 : memref<128x128xf32, #tpu.memory_space<vmem>>)
    %dma_start3A_436 = arith.constant 2 : i32
    %dma_start3A_437 = arith.constant 197 : i32
    %dma_start3A_438 = arith.constant 0 : i32
    %dma_start3A_439 = arith.constant 0 : i32
    %dma_start3A_440 = tpu.memref_slice %arg6[%dma_start3A_436, %dma_start3A_438, %dma_start3A_439] : memref<5x128x128xf32, #tpu.memory_space<vmem>> -> memref<1x128x128xf32, #tpu.memory_space<vmem>>
    %dma_start3A_441 = tpu.memref_squeeze %dma_start3A_440 : memref<1x128x128xf32, #tpu.memory_space<vmem>> -> memref<128x128xf32, #tpu.memory_space<vmem>>
    %dma_start3A_442 = arith.constant 0 : i32
    %dma_start3A_443 = arith.constant 0 : i32
    %dma_start3A_444 = tpu.memref_slice %arg4[%add3A, %dma_start3A_437, %dma_start3A_442, %dma_start3A_443] : memref<32x200x128x128xf32, #tpu.memory_space<hbm>> -> memref<1x1x128x128xf32, #tpu.memory_space<hbm>>
    %dma_start3A_445 = tpu.memref_squeeze %dma_start3A_444 : memref<1x1x128x128xf32, #tpu.memory_space<hbm>> -> memref<128x128xf32, #tpu.memory_space<hbm>>
    %dma_start3A_446 = arith.constant 0 : i32
    %dma_start3A_447 = arith.constant 0 : i32
    %dma_start3A_448 = tpu.memref_slice %arg4[%add3A, %dma_start3A_437, %dma_start3A_446, %dma_start3A_447] : memref<32x200x128x128xf32, #tpu.memory_space<hbm>> -> memref<1x1x128x128xf32, #tpu.memory_space<hbm>>
    %dma_start3A_449 = tpu.memref_squeeze %dma_start3A_448 : memref<1x1x128x128xf32, #tpu.memory_space<hbm>> -> memref<128x128xf32, #tpu.memory_space<hbm>>
    %dma_start3A_450 = arith.constant 0 : i32
    %dma_start3A_451 = arith.constant 0 : i32
    %dma_start3A_452 = tpu.memref_slice %arg6[%dma_start3A_436, %dma_start3A_450, %dma_start3A_451] : memref<5x128x128xf32, #tpu.memory_space<vmem>> -> memref<1x128x128xf32, #tpu.memory_space<vmem>>
    %dma_start3A_453 = tpu.memref_squeeze %dma_start3A_452 : memref<1x128x128xf32, #tpu.memory_space<vmem>> -> memref<128x128xf32, #tpu.memory_space<vmem>>
    tpu.enqueue_dma source(%dma_start3A_453 : memref<128x128xf32, #tpu.memory_space<vmem>>) target(%dma_start3A_449 : memref<128x128xf32, #tpu.memory_space<hbm>>) target_semaphore(%arg14 : memref<!tpu.dma_semaphore, #tpu.memory_space<semaphore_mem>>)
    %dma_wait3A_454 = arith.constant 0 : i32
    %dma_wait3A_455 = arith.constant 195 : i32
    %dma_wait3A_456 = arith.constant 0 : i32
    %dma_wait3A_457 = arith.constant 0 : i32
    %dma_wait3A_458 = tpu.memref_slice %arg6[%dma_wait3A_454, %dma_wait3A_456, %dma_wait3A_457] : memref<5x128x128xf32, #tpu.memory_space<vmem>> -> memref<1x128x128xf32, #tpu.memory_space<vmem>>
    %dma_wait3A_459 = tpu.memref_squeeze %dma_wait3A_458 : memref<1x128x128xf32, #tpu.memory_space<vmem>> -> memref<128x128xf32, #tpu.memory_space<vmem>>
    %dma_wait3A_460 = arith.constant 0 : i32
    %dma_wait3A_461 = arith.constant 0 : i32
    %dma_wait3A_462 = tpu.memref_slice %arg4[%add3A, %dma_wait3A_455, %dma_wait3A_460, %dma_wait3A_461] : memref<32x200x128x128xf32, #tpu.memory_space<hbm>> -> memref<1x1x128x128xf32, #tpu.memory_space<hbm>>
    %dma_wait3A_463 = tpu.memref_squeeze %dma_wait3A_462 : memref<1x1x128x128xf32, #tpu.memory_space<hbm>> -> memref<128x128xf32, #tpu.memory_space<hbm>>
    %dma_wait3A_464 = arith.constant 0 : i32
    %dma_wait3A_465 = arith.constant 0 : i32
    %dma_wait3A_466 = tpu.memref_slice %arg4[%add3A, %dma_wait3A_455, %dma_wait3A_464, %dma_wait3A_465] : memref<32x200x128x128xf32, #tpu.memory_space<hbm>> -> memref<1x1x128x128xf32, #tpu.memory_space<hbm>>
    %dma_wait3A_467 = tpu.memref_squeeze %dma_wait3A_466 : memref<1x1x128x128xf32, #tpu.memory_space<hbm>> -> memref<128x128xf32, #tpu.memory_space<hbm>>
    %dma_wait3A_468 = arith.constant 0 : i32
    %dma_wait3A_469 = arith.constant 0 : i32
    %dma_wait3A_470 = tpu.memref_slice %arg6[%dma_wait3A_454, %dma_wait3A_468, %dma_wait3A_469] : memref<5x128x128xf32, #tpu.memory_space<vmem>> -> memref<1x128x128xf32, #tpu.memory_space<vmem>>
    %dma_wait3A_471 = tpu.memref_squeeze %dma_wait3A_470 : memref<1x128x128xf32, #tpu.memory_space<vmem>> -> memref<128x128xf32, #tpu.memory_space<vmem>>
    tpu.wait_dma2 semaphore(%arg12 : memref<!tpu.dma_semaphore, #tpu.memory_space<semaphore_mem>>) src(%dma_wait3A_471 : memref<128x128xf32, #tpu.memory_space<vmem>>) dst(%dma_wait3A_467 : memref<128x128xf32, #tpu.memory_space<hbm>>)
    %dma_wait3A_472 = arith.constant 98 : i32
    %dma_wait3A_473 = arith.constant 3 : i32
    %dma_wait3A_474 = arith.constant 0 : i32
    %dma_wait3A_475 = arith.constant 0 : i32
    %dma_wait3A_476 = tpu.memref_slice %arg6[%dma_wait3A_473, %dma_wait3A_474, %dma_wait3A_475] : memref<5x128x128xf32, #tpu.memory_space<vmem>> -> memref<1x128x128xf32, #tpu.memory_space<vmem>>
    %dma_wait3A_477 = tpu.memref_squeeze %dma_wait3A_476 : memref<1x128x128xf32, #tpu.memory_space<vmem>> -> memref<128x128xf32, #tpu.memory_space<vmem>>
    %dma_wait3A_478 = arith.constant 0 : i32
    %dma_wait3A_479 = tpu.memref_slice %arg5[%dma_wait3A_472, %dma_wait3A_478] : memref<200x128xi32, #tpu.memory_space<vmem>> -> memref<1x128xi32, #tpu.memory_space<vmem>>
    %dma_wait3A_480 = tpu.memref_squeeze %dma_wait3A_479 : memref<1x128xi32, #tpu.memory_space<vmem>> -> memref<128xi32, #tpu.memory_space<vmem>>
    %dma_wait3A_481 = arith.constant 0 : i32
    %dma_wait3A_482 = arith.constant 0 : i32
    %dma_wait3A_483 = tpu.memref_slice %arg2[%dma_wait3A_481, %dma_wait3A_482] : memref<100000x128xf32, #tpu.memory_space<hbm>> -> memref<100000x128xf32, #tpu.memory_space<hbm>>
    tpu.wait_indirect_dma semaphore(%arg10 : memref<!tpu.dma_semaphore, #tpu.memory_space<semaphore_mem>>) src(%dma_wait3A_483 : memref<100000x128xf32, #tpu.memory_space<hbm>>) dst(%dma_wait3A_477 : memref<128x128xf32, #tpu.memory_space<vmem>>)
    %dma_start3A_484 = arith.constant 3 : i32
    %dma_start3A_485 = arith.constant 198 : i32
    %dma_start3A_486 = arith.constant 0 : i32
    %dma_start3A_487 = arith.constant 0 : i32
    %dma_start3A_488 = tpu.memref_slice %arg6[%dma_start3A_484, %dma_start3A_486, %dma_start3A_487] : memref<5x128x128xf32, #tpu.memory_space<vmem>> -> memref<1x128x128xf32, #tpu.memory_space<vmem>>
    %dma_start3A_489 = tpu.memref_squeeze %dma_start3A_488 : memref<1x128x128xf32, #tpu.memory_space<vmem>> -> memref<128x128xf32, #tpu.memory_space<vmem>>
    %dma_start3A_490 = arith.constant 0 : i32
    %dma_start3A_491 = arith.constant 0 : i32
    %dma_start3A_492 = tpu.memref_slice %arg4[%add3A, %dma_start3A_485, %dma_start3A_490, %dma_start3A_491] : memref<32x200x128x128xf32, #tpu.memory_space<hbm>> -> memref<1x1x128x128xf32, #tpu.memory_space<hbm>>
    %dma_start3A_493 = tpu.memref_squeeze %dma_start3A_492 : memref<1x1x128x128xf32, #tpu.memory_space<hbm>> -> memref<128x128xf32, #tpu.memory_space<hbm>>
    %dma_start3A_494 = arith.constant 0 : i32
    %dma_start3A_495 = arith.constant 0 : i32
    %dma_start3A_496 = tpu.memref_slice %arg4[%add3A, %dma_start3A_485, %dma_start3A_494, %dma_start3A_495] : memref<32x200x128x128xf32, #tpu.memory_space<hbm>> -> memref<1x1x128x128xf32, #tpu.memory_space<hbm>>
    %dma_start3A_497 = tpu.memref_squeeze %dma_start3A_496 : memref<1x1x128x128xf32, #tpu.memory_space<hbm>> -> memref<128x128xf32, #tpu.memory_space<hbm>>
    %dma_start3A_498 = arith.constant 0 : i32
    %dma_start3A_499 = arith.constant 0 : i32
    %dma_start3A_500 = tpu.memref_slice %arg6[%dma_start3A_484, %dma_start3A_498, %dma_start3A_499] : memref<5x128x128xf32, #tpu.memory_space<vmem>> -> memref<1x128x128xf32, #tpu.memory_space<vmem>>
    %dma_start3A_501 = tpu.memref_squeeze %dma_start3A_500 : memref<1x128x128xf32, #tpu.memory_space<vmem>> -> memref<128x128xf32, #tpu.memory_space<vmem>>
    tpu.enqueue_dma source(%dma_start3A_501 : memref<128x128xf32, #tpu.memory_space<vmem>>) target(%dma_start3A_497 : memref<128x128xf32, #tpu.memory_space<hbm>>) target_semaphore(%arg15 : memref<!tpu.dma_semaphore, #tpu.memory_space<semaphore_mem>>)
    %dma_wait3A_502 = arith.constant 1 : i32
    %dma_wait3A_503 = arith.constant 196 : i32
    %dma_wait3A_504 = arith.constant 0 : i32
    %dma_wait3A_505 = arith.constant 0 : i32
    %dma_wait3A_506 = tpu.memref_slice %arg6[%dma_wait3A_502, %dma_wait3A_504, %dma_wait3A_505] : memref<5x128x128xf32, #tpu.memory_space<vmem>> -> memref<1x128x128xf32, #tpu.memory_space<vmem>>
    %dma_wait3A_507 = tpu.memref_squeeze %dma_wait3A_506 : memref<1x128x128xf32, #tpu.memory_space<vmem>> -> memref<128x128xf32, #tpu.memory_space<vmem>>
    %dma_wait3A_508 = arith.constant 0 : i32
    %dma_wait3A_509 = arith.constant 0 : i32
    %dma_wait3A_510 = tpu.memref_slice %arg4[%add3A, %dma_wait3A_503, %dma_wait3A_508, %dma_wait3A_509] : memref<32x200x128x128xf32, #tpu.memory_space<hbm>> -> memref<1x1x128x128xf32, #tpu.memory_space<hbm>>
    %dma_wait3A_511 = tpu.memref_squeeze %dma_wait3A_510 : memref<1x1x128x128xf32, #tpu.memory_space<hbm>> -> memref<128x128xf32, #tpu.memory_space<hbm>>
    %dma_wait3A_512 = arith.constant 0 : i32
    %dma_wait3A_513 = arith.constant 0 : i32
    %dma_wait3A_514 = tpu.memref_slice %arg4[%add3A, %dma_wait3A_503, %dma_wait3A_512, %dma_wait3A_513] : memref<32x200x128x128xf32, #tpu.memory_space<hbm>> -> memref<1x1x128x128xf32, #tpu.memory_space<hbm>>
    %dma_wait3A_515 = tpu.memref_squeeze %dma_wait3A_514 : memref<1x1x128x128xf32, #tpu.memory_space<hbm>> -> memref<128x128xf32, #tpu.memory_space<hbm>>
    %dma_wait3A_516 = arith.constant 0 : i32
    %dma_wait3A_517 = arith.constant 0 : i32
    %dma_wait3A_518 = tpu.memref_slice %arg6[%dma_wait3A_502, %dma_wait3A_516, %dma_wait3A_517] : memref<5x128x128xf32, #tpu.memory_space<vmem>> -> memref<1x128x128xf32, #tpu.memory_space<vmem>>
    %dma_wait3A_519 = tpu.memref_squeeze %dma_wait3A_518 : memref<1x128x128xf32, #tpu.memory_space<vmem>> -> memref<128x128xf32, #tpu.memory_space<vmem>>
    tpu.wait_dma2 semaphore(%arg13 : memref<!tpu.dma_semaphore, #tpu.memory_space<semaphore_mem>>) src(%dma_wait3A_519 : memref<128x128xf32, #tpu.memory_space<vmem>>) dst(%dma_wait3A_515 : memref<128x128xf32, #tpu.memory_space<hbm>>)
    %dma_wait3A_520 = arith.constant 99 : i32
    %dma_wait3A_521 = arith.constant 4 : i32
    %dma_wait3A_522 = arith.constant 0 : i32
    %dma_wait3A_523 = arith.constant 0 : i32
    %dma_wait3A_524 = tpu.memref_slice %arg6[%dma_wait3A_521, %dma_wait3A_522, %dma_wait3A_523] : memref<5x128x128xf32, #tpu.memory_space<vmem>> -> memref<1x128x128xf32, #tpu.memory_space<vmem>>
    %dma_wait3A_525 = tpu.memref_squeeze %dma_wait3A_524 : memref<1x128x128xf32, #tpu.memory_space<vmem>> -> memref<128x128xf32, #tpu.memory_space<vmem>>
    %dma_wait3A_526 = arith.constant 0 : i32
    %dma_wait3A_527 = tpu.memref_slice %arg5[%dma_wait3A_520, %dma_wait3A_526] : memref<200x128xi32, #tpu.memory_space<vmem>> -> memref<1x128xi32, #tpu.memory_space<vmem>>
    %dma_wait3A_528 = tpu.memref_squeeze %dma_wait3A_527 : memref<1x128xi32, #tpu.memory_space<vmem>> -> memref<128xi32, #tpu.memory_space<vmem>>
    %dma_wait3A_529 = arith.constant 0 : i32
    %dma_wait3A_530 = arith.constant 0 : i32
    %dma_wait3A_531 = tpu.memref_slice %arg2[%dma_wait3A_529, %dma_wait3A_530] : memref<100000x128xf32, #tpu.memory_space<hbm>> -> memref<100000x128xf32, #tpu.memory_space<hbm>>
    tpu.wait_indirect_dma semaphore(%arg11 : memref<!tpu.dma_semaphore, #tpu.memory_space<semaphore_mem>>) src(%dma_wait3A_531 : memref<100000x128xf32, #tpu.memory_space<hbm>>) dst(%dma_wait3A_525 : memref<128x128xf32, #tpu.memory_space<vmem>>)
    %dma_start3A_532 = arith.constant 4 : i32
    %dma_start3A_533 = arith.constant 199 : i32
    %dma_start3A_534 = arith.constant 0 : i32
    %dma_start3A_535 = arith.constant 0 : i32
    %dma_start3A_536 = tpu.memref_slice %arg6[%dma_start3A_532, %dma_start3A_534, %dma_start3A_535] : memref<5x128x128xf32, #tpu.memory_space<vmem>> -> memref<1x128x128xf32, #tpu.memory_space<vmem>>
    %dma_start3A_537 = tpu.memref_squeeze %dma_start3A_536 : memref<1x128x128xf32, #tpu.memory_space<vmem>> -> memref<128x128xf32, #tpu.memory_space<vmem>>
    %dma_start3A_538 = arith.constant 0 : i32
    %dma_start3A_539 = arith.constant 0 : i32
    %dma_start3A_540 = tpu.memref_slice %arg4[%add3A, %dma_start3A_533, %dma_start3A_538, %dma_start3A_539] : memref<32x200x128x128xf32, #tpu.memory_space<hbm>> -> memref<1x1x128x128xf32, #tpu.memory_space<hbm>>
    %dma_start3A_541 = tpu.memref_squeeze %dma_start3A_540 : memref<1x1x128x128xf32, #tpu.memory_space<hbm>> -> memref<128x128xf32, #tpu.memory_space<hbm>>
    %dma_start3A_542 = arith.constant 0 : i32
    %dma_start3A_543 = arith.constant 0 : i32
    %dma_start3A_544 = tpu.memref_slice %arg4[%add3A, %dma_start3A_533, %dma_start3A_542, %dma_start3A_543] : memref<32x200x128x128xf32, #tpu.memory_space<hbm>> -> memref<1x1x128x128xf32, #tpu.memory_space<hbm>>
    %dma_start3A_545 = tpu.memref_squeeze %dma_start3A_544 : memref<1x1x128x128xf32, #tpu.memory_space<hbm>> -> memref<128x128xf32, #tpu.memory_space<hbm>>
    %dma_start3A_546 = arith.constant 0 : i32
    %dma_start3A_547 = arith.constant 0 : i32
    %dma_start3A_548 = tpu.memref_slice %arg6[%dma_start3A_532, %dma_start3A_546, %dma_start3A_547] : memref<5x128x128xf32, #tpu.memory_space<vmem>> -> memref<1x128x128xf32, #tpu.memory_space<vmem>>
    %dma_start3A_549 = tpu.memref_squeeze %dma_start3A_548 : memref<1x128x128xf32, #tpu.memory_space<vmem>> -> memref<128x128xf32, #tpu.memory_space<vmem>>
    tpu.enqueue_dma source(%dma_start3A_549 : memref<128x128xf32, #tpu.memory_space<vmem>>) target(%dma_start3A_545 : memref<128x128xf32, #tpu.memory_space<hbm>>) target_semaphore(%arg16 : memref<!tpu.dma_semaphore, #tpu.memory_space<semaphore_mem>>)
    %dma_wait3A_550 = arith.constant 2 : i32
    %dma_wait3A_551 = arith.constant 197 : i32
    %dma_wait3A_552 = arith.constant 0 : i32
    %dma_wait3A_553 = arith.constant 0 : i32
    %dma_wait3A_554 = tpu.memref_slice %arg6[%dma_wait3A_550, %dma_wait3A_552, %dma_wait3A_553] : memref<5x128x128xf32, #tpu.memory_space<vmem>> -> memref<1x128x128xf32, #tpu.memory_space<vmem>>
    %dma_wait3A_555 = tpu.memref_squeeze %dma_wait3A_554 : memref<1x128x128xf32, #tpu.memory_space<vmem>> -> memref<128x128xf32, #tpu.memory_space<vmem>>
    %dma_wait3A_556 = arith.constant 0 : i32
    %dma_wait3A_557 = arith.constant 0 : i32
    %dma_wait3A_558 = tpu.memref_slice %arg4[%add3A, %dma_wait3A_551, %dma_wait3A_556, %dma_wait3A_557] : memref<32x200x128x128xf32, #tpu.memory_space<hbm>> -> memref<1x1x128x128xf32, #tpu.memory_space<hbm>>
    %dma_wait3A_559 = tpu.memref_squeeze %dma_wait3A_558 : memref<1x1x128x128xf32, #tpu.memory_space<hbm>> -> memref<128x128xf32, #tpu.memory_space<hbm>>
    %dma_wait3A_560 = arith.constant 0 : i32
    %dma_wait3A_561 = arith.constant 0 : i32
    %dma_wait3A_562 = tpu.memref_slice %arg4[%add3A, %dma_wait3A_551, %dma_wait3A_560, %dma_wait3A_561] : memref<32x200x128x128xf32, #tpu.memory_space<hbm>> -> memref<1x1x128x128xf32, #tpu.memory_space<hbm>>
    %dma_wait3A_563 = tpu.memref_squeeze %dma_wait3A_562 : memref<1x1x128x128xf32, #tpu.memory_space<hbm>> -> memref<128x128xf32, #tpu.memory_space<hbm>>
    %dma_wait3A_564 = arith.constant 0 : i32
    %dma_wait3A_565 = arith.constant 0 : i32
    %dma_wait3A_566 = tpu.memref_slice %arg6[%dma_wait3A_550, %dma_wait3A_564, %dma_wait3A_565] : memref<5x128x128xf32, #tpu.memory_space<vmem>> -> memref<1x128x128xf32, #tpu.memory_space<vmem>>
    %dma_wait3A_567 = tpu.memref_squeeze %dma_wait3A_566 : memref<1x128x128xf32, #tpu.memory_space<vmem>> -> memref<128x128xf32, #tpu.memory_space<vmem>>
    tpu.wait_dma2 semaphore(%arg14 : memref<!tpu.dma_semaphore, #tpu.memory_space<semaphore_mem>>) src(%dma_wait3A_567 : memref<128x128xf32, #tpu.memory_space<vmem>>) dst(%dma_wait3A_563 : memref<128x128xf32, #tpu.memory_space<hbm>>)
    %dma_wait3A_568 = arith.constant 3 : i32
    %dma_wait3A_569 = arith.constant 198 : i32
    %dma_wait3A_570 = arith.constant 0 : i32
    %dma_wait3A_571 = arith.constant 0 : i32
    %dma_wait3A_572 = tpu.memref_slice %arg6[%dma_wait3A_568, %dma_wait3A_570, %dma_wait3A_571] : memref<5x128x128xf32, #tpu.memory_space<vmem>> -> memref<1x128x128xf32, #tpu.memory_space<vmem>>
    %dma_wait3A_573 = tpu.memref_squeeze %dma_wait3A_572 : memref<1x128x128xf32, #tpu.memory_space<vmem>> -> memref<128x128xf32, #tpu.memory_space<vmem>>
    %dma_wait3A_574 = arith.constant 0 : i32
    %dma_wait3A_575 = arith.constant 0 : i32
    %dma_wait3A_576 = tpu.memref_slice %arg4[%add3A, %dma_wait3A_569, %dma_wait3A_574, %dma_wait3A_575] : memref<32x200x128x128xf32, #tpu.memory_space<hbm>> -> memref<1x1x128x128xf32, #tpu.memory_space<hbm>>
    %dma_wait3A_577 = tpu.memref_squeeze %dma_wait3A_576 : memref<1x1x128x128xf32, #tpu.memory_space<hbm>> -> memref<128x128xf32, #tpu.memory_space<hbm>>
    %dma_wait3A_578 = arith.constant 0 : i32
    %dma_wait3A_579 = arith.constant 0 : i32
    %dma_wait3A_580 = tpu.memref_slice %arg4[%add3A, %dma_wait3A_569, %dma_wait3A_578, %dma_wait3A_579] : memref<32x200x128x128xf32, #tpu.memory_space<hbm>> -> memref<1x1x128x128xf32, #tpu.memory_space<hbm>>
    %dma_wait3A_581 = tpu.memref_squeeze %dma_wait3A_580 : memref<1x1x128x128xf32, #tpu.memory_space<hbm>> -> memref<128x128xf32, #tpu.memory_space<hbm>>
    %dma_wait3A_582 = arith.constant 0 : i32
    %dma_wait3A_583 = arith.constant 0 : i32
    %dma_wait3A_584 = tpu.memref_slice %arg6[%dma_wait3A_568, %dma_wait3A_582, %dma_wait3A_583] : memref<5x128x128xf32, #tpu.memory_space<vmem>> -> memref<1x128x128xf32, #tpu.memory_space<vmem>>
    %dma_wait3A_585 = tpu.memref_squeeze %dma_wait3A_584 : memref<1x128x128xf32, #tpu.memory_space<vmem>> -> memref<128x128xf32, #tpu.memory_space<vmem>>
    tpu.wait_dma2 semaphore(%arg15 : memref<!tpu.dma_semaphore, #tpu.memory_space<semaphore_mem>>) src(%dma_wait3A_585 : memref<128x128xf32, #tpu.memory_space<vmem>>) dst(%dma_wait3A_581 : memref<128x128xf32, #tpu.memory_space<hbm>>)
    %dma_wait3A_586 = arith.constant 4 : i32
    %dma_wait3A_587 = arith.constant 199 : i32
    %dma_wait3A_588 = arith.constant 0 : i32
    %dma_wait3A_589 = arith.constant 0 : i32
    %dma_wait3A_590 = tpu.memref_slice %arg6[%dma_wait3A_586, %dma_wait3A_588, %dma_wait3A_589] : memref<5x128x128xf32, #tpu.memory_space<vmem>> -> memref<1x128x128xf32, #tpu.memory_space<vmem>>
    %dma_wait3A_591 = tpu.memref_squeeze %dma_wait3A_590 : memref<1x128x128xf32, #tpu.memory_space<vmem>> -> memref<128x128xf32, #tpu.memory_space<vmem>>
    %dma_wait3A_592 = arith.constant 0 : i32
    %dma_wait3A_593 = arith.constant 0 : i32
    %dma_wait3A_594 = tpu.memref_slice %arg4[%add3A, %dma_wait3A_587, %dma_wait3A_592, %dma_wait3A_593] : memref<32x200x128x128xf32, #tpu.memory_space<hbm>> -> memref<1x1x128x128xf32, #tpu.memory_space<hbm>>
    %dma_wait3A_595 = tpu.memref_squeeze %dma_wait3A_594 : memref<1x1x128x128xf32, #tpu.memory_space<hbm>> -> memref<128x128xf32, #tpu.memory_space<hbm>>
    %dma_wait3A_596 = arith.constant 0 : i32
    %dma_wait3A_597 = arith.constant 0 : i32
    %dma_wait3A_598 = tpu.memref_slice %arg4[%add3A, %dma_wait3A_587, %dma_wait3A_596, %dma_wait3A_597] : memref<32x200x128x128xf32, #tpu.memory_space<hbm>> -> memref<1x1x128x128xf32, #tpu.memory_space<hbm>>
    %dma_wait3A_599 = tpu.memref_squeeze %dma_wait3A_598 : memref<1x1x128x128xf32, #tpu.memory_space<hbm>> -> memref<128x128xf32, #tpu.memory_space<hbm>>
    %dma_wait3A_600 = arith.constant 0 : i32
    %dma_wait3A_601 = arith.constant 0 : i32
    %dma_wait3A_602 = tpu.memref_slice %arg6[%dma_wait3A_586, %dma_wait3A_600, %dma_wait3A_601] : memref<5x128x128xf32, #tpu.memory_space<vmem>> -> memref<1x128x128xf32, #tpu.memory_space<vmem>>
    %dma_wait3A_603 = tpu.memref_squeeze %dma_wait3A_602 : memref<1x128x128xf32, #tpu.memory_space<vmem>> -> memref<128x128xf32, #tpu.memory_space<vmem>>
    tpu.wait_dma2 semaphore(%arg16 : memref<!tpu.dma_semaphore, #tpu.memory_space<semaphore_mem>>) src(%dma_wait3A_603 : memref<128x128xf32, #tpu.memory_space<vmem>>) dst(%dma_wait3A_599 : memref<128x128xf32, #tpu.memory_space<hbm>>)
    return
  }
}

</mosaic_0001>

<sc_bundles>
// kernel: kernel.3.cloned.1.call-start
scs
__scs_entry_jumppad:
0x0: {  	(pc) =	sbr.rel $0x88, $3  }
0x1: {  	(tag) =	ssettag $0x0;
	lr =	simm.s32 $0x1  }
0x2: {  	[smem:$0x3F9F] =	sst lr;
	_ =	strace $0xD0000000  }
0x3: {  	_ = 	snop  }
0x4: {  	_ = 	snop  }
0x5: {  	_ = 	snop  }
0x6: {  	_ = 	snop  }
0x7: {  	_ = 	snop  }
__scs_overlays_trampoline_lowered:
0x8: {  	[smem:$0x3FAE] =	sst s0  }
0x9: {  	[smem:$0x3FAF] =	sst s1  }
0xa: {  	[smem:$0x3FB0] =	sst s2  }
0xb: {  	[smem:$0x3FB1] =	sst s3  }
0xc: {  	[smem:$0x3FB2] =	sst s4  }
0xd: {  	[smem:$0x3FB3] =	sst s5  }
0xe: {  	[smem:$0x3FB4] =	sst s6  }
0xf: {  	[smem:$0x3FB5] =	sst s7  }
0x10: {  	[smem:$0x3FB6] =	sst s8  }
0x11: {  	[smem:$0x3FB7] =	sst s9;
	s0 =	simm.s32 @!p0 $0x0  }
0x12: {  	s1 =	sld [smem:$0x3F9D];
	s0 =	simm.s32 @p0 $0x1  }
0x13: {  	[smem:$0x3FB8] =	sst s0;
	s0 =	simm.s32 @!p1 $0x0  }
0x14: {  	s2 =	sld [smem:$0x3F9C];
	s0 =	simm.s32 @p1 $0x1  }
0x15: {  	[smem:$0x3FB9] =	sst s0;
	s0 =	simm.s32 @!p2 $0x0  }
0x16: {  	s3 =	sld [smem:$0x3FDB];
	s0 =	simm.s32 @p2 $0x1  }
0x17: {  	s4 =	simm.s32 $0x1BF5;
	[smem:$0x3FBB] =	sst s0  }
0x18: {  	s0 =	sld [smem:$0x3F9E];
	_ =	swait.ge [sflag:s4], $0x0  }
0x19: {  	s7 =	sld [smem:$0x3F9F]  }
0x1a: {  	s8 =	sadd.s32 $0xFFFFE003, lr  }
0x1b: {  	s9 =	sadd.s32 $0xFFFFFEF7, lr;
	s5 =	simm.s32 $0xFFFFFFFF;
	p2 =	slt.u32 s8, $0xFFFFF086  }
0x1c: {  	p1 =	slt.u32 s9, $0xF7A;
	s5 =	simm.s32 @!p2 $0x0  }
0x1d: {  	s5 =	simm.s32 @p1 $0x1;
	p0 =	seq.s32 s7, s2  }
0x1e: {  	s7 =	smul.u32 @!p0 $0xF7A, s2;
	p2 =	seq.s32 @!p0 s5, $0x0  }
0x1f: {  	s9 =	smul.u32 $0xF7A, s1;
	s8 =	simm.s32 @!p0 $0x1BF5;
	p2 =	por !p2, p0  }
0x20: {  	[sflag:s8] =	ssyncset.s32 @!p0 $0xFFFFF086;
	s6 =	sadd.s32 @!p0 s3, s7;
	s7 =	simm.s32 @!p0 $0x108  }
0x21: {  	s3 =	sadd.s32 s3, s9;
	s6 =	sadd.s32 @!p0 $0x88, s6;
	s7 =	simm.s32 @p2 $0x1082  }
0x22: {  	[simem:s7], [sflag:s8] =	dma.local @!p0 [hbm:s6], $0xF7A  }
0x23: {  	s9 =	sor.u32 $0xD0000000, s2;
	s6 =	simm.s32 $0x108;
	_ =	swait.ge @!p0 [sflag:s8], $0x0  }
0x24: {  	s3 =	sadd.s32 $0x88, s3;
	s6 =	simm.s32 @!p1 $0x1082;
	[sflag:s4] =	ssyncset.s32 $0xFFFFF086  }
0x25: {  	[simem:s6], [sflag:s4] =	dma.local [hbm:s3], $0xF7A  }
0x26: {  	[smem:$0x3F9F] =	sst s1;
	(tag) =	ssettag s2;
	_ =	strace s9  }
0x27: {  	s1 =	sld [smem:$0x3FAF]  }
0x28: {  	s2 =	sld [smem:$0x3FB0]  }
0x29: {  	s4 =	sld [smem:$0x3FB2]  }
0x2a: {  	p0 =	seq.s32 s5, $0x0;
	s5 =	sld [smem:$0x3FB3]  }
0x2b: {  	s6 =	sld [smem:$0x3FB4]  }
0x2c: {  	s7 =	sld [smem:$0x3FB5]  }
0x2d: {  	s3 =	simm.s32 $0x108;
	s8 =	sld [smem:$0x3FB6]  }
0x2e: {  	s3 =	simm.s32 @!p0 $0x1082;
	s9 =	sld [smem:$0x3FB7]  }
0x2f: {  	lr =	sadd.s32 s0, s3;
	s0 =	sld [smem:$0x3FAE]  }
0x30: {  	s3 =	sld [smem:$0x3FB1]  }
0x31: {  	[smem:$0x3FBA] =	sst s10  }
0x32: {  	s10 =	sld [smem:$0x3FB8];
	_ =	sdelay $0x3  }
0x33: {  	p0 =	seq.s32 s10, $0x1;
	s10 =	sld [smem:$0x3FBA];
	_ =	sdelay $0x3  }
0x34: {  	[smem:$0x3FBA] =	sst s10  }
0x35: {  	s10 =	sld [smem:$0x3FB9];
	_ =	sdelay $0x3  }
0x36: {  	p1 =	seq.s32 s10, $0x1;
	s10 =	sld [smem:$0x3FBA];
	_ =	sdelay $0x3  }
0x37: {  	[smem:$0x3FBA] =	sst s10  }
0x38: {  	s10 =	sld [smem:$0x3FBB]  }
0x39: {  	_ = 	snop;
	(pc) =	sbr.ind lr, $3  }
0x3a: {  	_ = 	snop  }
0x3b: {  	_ = 	snop  }
0x3c: {  	p2 =	seq.s32 s10, $0x1;
	s10 =	sld [smem:$0x3FBA]  }
0x3d: {  	_ =	shalt  }
0x3e: {  	_ =	shalt  }
0x3f: {  	_ =	shalt  }
0x40: {  	_ =	shalt  }
0x41: {  	_ =	shalt  }
0x42: {  	_ =	shalt  }
0x43: {  	_ =	shalt  }
0x44: {  	_ =	shalt  }
0x45: {  	_ =	shalt  }
0x46: {  	_ =	shalt  }
0x47: {  	_ =	shalt  }
0x48: {  	_ =	shalt  }
0x49: {  	_ =	shalt  }
0x4a: {  	_ =	shalt  }
0x4b: {  	_ =	shalt  }
0x4c: {  	_ =	shalt  }
0x4d: {  	_ =	shalt  }
0x4e: {  	_ =	shalt  }
0x4f: {  	_ =	shalt  }
0x50: {  	_ =	shalt  }
0x51: {  	_ =	shalt  }
0x52: {  	_ =	shalt  }
0x53: {  	_ =	shalt  }
0x54: {  	_ =	shalt  }
0x55: {  	_ =	shalt  }
0x56: {  	_ =	shalt  }
0x57: {  	_ =	shalt  }
0x58: {  	_ =	shalt  }
0x59: {  	_ =	shalt  }
0x5a: {  	_ =	shalt  }
0x5b: {  	_ =	shalt  }
0x5c: {  	_ =	shalt  }
0x5d: {  	_ =	shalt  }
0x5e: {  	_ =	shalt  }
0x5f: {  	_ =	shalt  }
0x60: {  	_ =	shalt  }
0x61: {  	_ =	shalt  }
0x62: {  	_ =	shalt  }
0x63: {  	_ =	shalt  }
0x64: {  	_ =	shalt  }
0x65: {  	_ =	shalt  }
0x66: {  	_ =	shalt  }
0x67: {  	_ =	shalt  }
0x68: {  	_ =	shalt  }
0x69: {  	_ =	shalt  }
0x6a: {  	_ =	shalt  }
0x6b: {  	_ =	shalt  }
0x6c: {  	_ =	shalt  }
0x6d: {  	_ =	shalt  }
0x6e: {  	_ =	shalt  }
0x6f: {  	_ =	shalt  }
0x70: {  	_ =	shalt  }
0x71: {  	_ =	shalt  }
0x72: {  	_ =	shalt  }
0x73: {  	_ =	shalt  }
0x74: {  	_ =	shalt  }
0x75: {  	_ =	shalt  }
0x76: {  	_ =	shalt  }
0x77: {  	_ =	shalt  }
0x78: {  	_ =	shalt  }
0x79: {  	_ =	shalt  }
0x7a: {  	_ =	shalt  }
0x7b: {  	_ =	shalt  }
0x7c: {  	_ =	shalt  }
0x7d: {  	_ =	shalt  }
0x7e: {  	_ =	shalt  }
0x7f: {  	_ =	shalt  }
0x80: {  	_ =	shalt  }
0x81: {  	_ =	shalt  }
0x82: {  	_ =	shalt  }
0x83: {  	_ =	shalt  }
0x84: {  	_ =	shalt  }
0x85: {  	_ =	shalt  }
0x86: {  	_ =	shalt  }
0x87: {  	_ =	shalt  }
.Lfunc_end0:
.L_simem_size_0:
called_computation_lowered:
.L_overlay_start_0:
0x88: {  	s2 =	sld [smem:$0x3FD9]  }
0x89: {  	s3 =	sld [smem:$0x3FFE];
	_ =	sdelay $0x1  }
0x8a: {  	s1 =	srdreg.scid  }
0x8b: {  	s0 =	sand.u32 $0x1, s1  }
0x8c: {  	s17 =	sshll.u32 s0, $0xA;
	s2 =	sadd.s32 s3, s2  }
0x8d: {  	s2 =	sadd.s32 s2, s17  }
0x8e: {  	[smem:$0x3FC6] =	sst s2  }
0x8f: {  	_ = 	snop  }
0x90: {  	s2 =	sld [smem:$0x3FC9]  }
0x91: {  	s18 =	sld [smem:$0x3FD0];
	(tm) =	ssettm $0x1  }
0x92: {  	s4 =	sld [smem:$0x3FFB];
	_ =	sdelay $0x3  }
0x93: {  	_ =	strace s4  }
0x94: {  	s4 =	sld [smem:$0x3FFC];
	_ =	sdelay $0x3  }
0x95: {  	_ =	strace s4  }
0x96: {  	s4 =	sld [smem:$0x3FFD];
	_ =	sdelay $0x3  }
0x97: {  	_ =	strace s4  }
0x98: {  	_ =	strace $0x8FFFFFFF  }
0x99: {  	s19 =	sld [smem:$0x3FDB];
	_ =	sdelay $0x1  }
0x9a: {  	s5 =	simm.s32 $_scs_section_size  }
0x9b: {  	s6 =	simm.s32 $_size__tile_overlayer_lowered;
	s7 =	simm.s32 $_tile_overlayer_lowered  }
0x9c: {  	s22 =	simm.s32 $0x1BFF;
	s21 =	sshll.u32 s7, $0x1;
	s4 =	sadd.s32 s5, s19  }
0x9d: {  	s8 =	simm.s32 $0x0;
	s20 =	sshll.u32 s6, $0x1;
	s6 =	sadd.s32 s21, s4  }
0x9e: {  	[timem:s8], [sflag:s22] =	dma.local [hbm:s6], s20  }
0x9f: {  	_ =	swait.ge [sflag:s22], s20  }
0xa0: {  	s5 =	ssub.s32 $0x0, s20;
	[sflag:s22] =	ssyncset.done $0x0  }
0xa1: {  	[sflag:s22] =	ssyncadd.s32 s5;
	_ =	sdelay $0x1  }
0xa2: {  	s23 =	simm.s32 $0x1B8B  }
0xa3: {  	_ =	swait.ge [sflag:s23], $0x1  }
0xa4: {  	[sflag:s23] =	ssyncset.done $0x0  }
0xa5: {  	s25 =	simm.s32 $0x1B8E;
	s24 =	sld [smem:$0x3FFE];
	[sflag:s23] =	ssyncadd.s32 $0xFFFFFFFF  }
0xa6: {  	s26 =	simm.s32 $execute0_lowered;
	[smem:$0x3FD2] =	sst s25  }
0xa7: {  	s6 =	sshll.u32 s26, $0x1;
	_ =	strace $0x80000046;
	[dreg:$0x1] =	wrdreg $0xFFFFFFFF  }
0xa8: {  	s28 =	simm.s32 $_size_execute0_lowered;
	s4 =	sadd.s32 s4, s6;
	[dreg:$0x0] =	wrdreg $0x0  }
0xa9: {  	s6 =	sshll.u32 s28, $0x1;
	[dreg:$0x2] =	wrdreg s4  }
0xaa: {  	[dreg:$0x3] =	wrdreg s6  }
0xab: {  	[dreg:$0x4] =	wrdreg $0xC0  }
0xac: {  	_ =	task [dreg:s8], $0x5FFFF  }
0xad: {  	[dreg:$0x1] =	wrdreg $0xFFFFFFFF  }
0xae: {  	[dreg:$0x0] =	wrdreg $0x60  }
0xaf: {  	[dreg:$0x2] =	wrdreg s2  }
0xb0: {  	[dreg:$0x3] =	wrdreg s24  }
0xb1: {  	[dreg:$0x4] =	wrdreg s18  }
0xb2: {  	[dreg:$0x5] =	wrdreg $0x9  }
0xb3: {  	_ =	task.clear_ibuf [dreg:s8], $0x6FFFF;
	_ =	strace $0x90000046  }
0xb4: {  	s29 =	simm.s32 $0x9;
	_ =	strace $0x80000048  }
0xb5: {  	_ =	swait.ge [sflag:s29], $0x1  }
0xb6: {  	[sflag:s29] =	ssyncadd.s32 $0xFFFFFFFF  }
0xb7: {  	_ =	strace $0x90000048  }
0xb8: {  	_ =	sfence  }
0xb9: {  	s30 =	sld [smem:$0x0];
	_ =	sdelay $0x2  }
0xba: {  	s31 =	sshll.u32 s1, $0xD;
	s1 =	sshrl.u32 s1, $0x2  }
0xbb: {  	s3 =	sand.u32 $0x4000, s31;
	s1 =	sadd.s32 s1, s30  }
0xbc: {  	s0 =	sor.u32 s3, s0;
	s1 =	sshll.u32 s1, $0x11  }
0xbd: {  	s0 =	sor.u32 s1, s0  }
0xbe: {  	s0 =	sadd.s32 $0x8F2B, s0  }
0xbf: {  	[sflag:s0] =	ssyncadd.remote.s32 $0x1  }
0xc0: {  	_ =	sfence.sel $0xFFFF  }
0xc1: {  	[dreg:$0x0] =	wrdreg $0xFFFFFFFF;
	(pc) =	sbr.abs _section_cstart, $3  }
0xc2: {  	[dreg:$0x1] =	wrdreg $0xFFFFFFFF  }
0xc3: {  	_ =	task.clear_ibuf [dreg:s8], $0x2FFFF;
	_ =	strace $0x9FFFFFFF  }
0xc4: {  	(tm) =	ssettm $0x7FFFFFFF  }
0xc5: {  	_ =	shalt  }
tec
execute0_lowered:
.L_overlay_start_1:
0x0: {  	(tag) =	ssettag $0x1  }
0x1: {  	s1 =	rddreg [dreg:$0x0]  }
0x2: {  	s0 =	srdreg.scid;
	s2 =	rddreg [dreg:$0x1]  }
0x3: {  	s9 =	stileid.u32;
	s4 =	rddreg [dreg:$0x2];
	s28 =	simm.s32 $0x2  }
0x4: {  	s30 =	simm.s32 $0x16400;
	s0 =	sand.u32 $0x1, s0;
	s3 =	sshll.u32 s9, $0x1  }
0x5: {  	s31 =	simm.s32 $0x3;
	s13 =	smul.u32 $0x640000, s9;
	s5 =	sor.u32 s0, s3  }
0x6: {  	s3 =	simm.s32 $0x0;
	s7 =	ssub.s32 $0x2, s0;
	s0 =	smul.u32 $0x320000, s0  }
0x7: {  	s29 =	simm.s32 $0x7;
	s6 =	smul.u32 $0xC80, s5;
	[smem:$0x7FF] =	sst s3  }
0x8: {  	s5 =	smul.u32 $0x320000, s5;
	s8 =	sshrl.u32 s7, $0x1;
	_ =	strace $0x80000047  }
0x9: {  	s10 =	ssub.s32 s7, s8;
	s0 =	sadd.s32 s0, s13;
	s2 =	sadd.s32 s6, s2  }
0xa: {  	s5 =	sshrl.u32 s5, $0x3;
	s22 =	sadd.s32 $0x1B0000, s0;
	s24 =	sadd.s32 $0x1AC000, s0  }
0xb: {  	s26 =	sadd.s32 $0x1A8000, s0;
	s6 =	simm.s32 $0x0;
	s2 =	sadd.s32 $0x400, s2  }
0xc: {  	s11 =	sadd.s32 s4, s5;
	s5 =	sadd.s32 $0x1B4000, s0;
	s25 =	sshrl.u32 s24, $0x3  }
0xd: {  	s0 =	sadd.s32 $0x1A4000, s0;
	[dreg:$0x7] =	wrdreg s2;
	s14 =	sadd.s32 $0x32000, s11  }
0xe: {  	s24 =	simm.s32 $0x1;
	s15 =	sadd.s32 $0x32800, s11;
	[dreg:$0x8] =	wrdreg s14  }
0xf: {  	s16 =	sadd.s32 $0x33000, s11;
	s17 =	sadd.s32 $0x33800, s11;
	[dreg:$0x9] =	wrdreg s15  }
0x10: {  	s18 =	sadd.s32 $0x34000, s11;
	s19 =	sadd.s32 $0x61800, s11;
	[dreg:$0xa] =	wrdreg s16  }
0x11: {  	s20 =	sadd.s32 $0x62000, s11;
	s12 =	sadd.s32 $0x62800, s11;
	[dreg:$0xb] =	wrdreg s17  }
0x12: {  	s13 =	sadd.s32 $0x63000, s11;
	s21 =	sshrl.u32 s5, $0x3;
	[dreg:$0xc] =	wrdreg s18  }
0x13: {  	s5 =	sshrl.u32 s22, $0x3;
	s0 =	sshrl.u32 s0, $0x3;
	[dreg:$0xd] =	wrdreg s19  }
0x14: {  	s22 =	simm.s32 $0x4;
	[dreg:$0xe] =	wrdreg s20;
	s14 =	sadd.s32 $0x63800, s11  }
0x15: {  	s15 =	smax.u32 s10, $0x1;
	s2 =	sadd.s32 s21, s4;
	s23 =	sadd.s32 s5, s4  }
0x16: {  	s5 =	sshrl.u32 s26, $0x3;
	s17 =	sadd.s32 s0, s4;
	s18 =	simm.s32 $0xB  }
0x17: {  	s19 =	simm.s32 $0x80;
	s20 =	simm.s32 $0x6400;
	s21 =	simm.s32 $0xA400  }
0x18: {  	s26 =	simm.s32 $0x12400;
	s0 =	simm.s32 $0x6;
	[dreg:$0x4] =	wrdreg s2  }
0x19: {  	[dreg:$0x5] =	wrdreg s23;
	s2 =	sadd.s32 s25, s4;
	s16 =	sadd.s32 s5, s4  }
0x1a: {  	s23 =	simm.s32 $0xE400;
	s25 =	simm.s32 $0x8;
	s4 =	simm.s32 $0x9  }
0x1b: {  	s5 =	simm.s32 $0xA;
	[dreg:$0x6] =	wrdreg s2;
	s2 =	simm.s32 $0x5  }
.LBB2_1:
0x1c: {  	s7 =	rddreg [dreg:$0x7]  }
0x1d: {  	[tilespmem:s3], [sflag:$0xB] =	stream.linear.gather [hbm4b:s7+s3], $0x6400, $0x38;
	[tilespmem:$0x1A400] =	vst v63  }
0x1e: {  	_ =	swait.ge [sflag:s18], $0x6400  }
0x1f: {  	[sflag:s18] =	ssyncset.done $0x0  }
0x20: {  	[sflag:s18] =	ssyncadd.s32 $0xFFFF9C00  }
0x21: {  	[tilespmem:s20], [sflag:$0x1] =	stream.indirect.gather [hbm4b:s1+s19], $0x80, s3, s19, $0xb8;
	[tilespmem:$0x1A400] =	vst v63  }
0x22: {  	_ = 	snop  }
0x23: {  	[tilespmem:s21], [sflag:$0x2] =	stream.indirect.gather [hbm4b:s1+s19], $0x80, s19, s19, $0xb8;
	[tilespmem:$0x1A400] =	vst v63  }
0x24: {  	s8 =	simm.s32 $0x100  }
0x25: {  	[tilespmem:s23], [sflag:$0x3] =	stream.indirect.gather [hbm4b:s1+s19], $0x80, s8, s19, $0xb8;
	[tilespmem:$0x1A400] =	vst v63  }
0x26: {  	_ =	swait.ge [sflag:s24], $0x4000  }
0x27: {  	[sflag:s24] =	ssyncset.done $0x0  }
0x28: {  	s9 =	simm.s32 $0x180;
	[sflag:s24] =	ssyncadd.s32 $0xFFFFC000  }
0x29: {  	[tilespmem:s26], [sflag:$0x4] =	stream.indirect.gather [hbm4b:s1+s19], $0x80, s9, s19, $0xb8;
	[tilespmem:$0x1A400] =	vst v63  }
0x2a: {  	s10 =	rddreg [dreg:$0x8]  }
0x2b: {  	[hbm4b:s10+s3] =	stream.linear.scatter [tilespmem:s20], [sflag:$0x6], $0x4000, $0x38;
	[tilespmem:$0x1A400] =	vst v63  }
0x2c: {  	_ =	swait.ge [sflag:s28], $0x4000  }
0x2d: {  	[sflag:s28] =	ssyncset.done $0x0  }
0x2e: {  	s11 =	simm.s32 $0x200;
	[sflag:s28] =	ssyncadd.s32 $0xFFFFC000  }
0x2f: {  	[tilespmem:s30], [sflag:$0x5] =	stream.indirect.gather [hbm4b:s1+s19], $0x80, s11, s19, $0xb8;
	[tilespmem:$0x1A400] =	vst v63  }
0x30: {  	s8 =	rddreg [dreg:$0x9]  }
0x31: {  	[hbm4b:s8+s3] =	stream.linear.scatter [tilespmem:s21], [sflag:$0x7], $0x4000, $0x38;
	[tilespmem:$0x1A400] =	vst v63  }
0x32: {  	_ =	swait.ge [sflag:s31], $0x4000  }
0x33: {  	[sflag:s31] =	ssyncset.done $0x0  }
0x34: {  	s9 =	simm.s32 $0x280;
	[sflag:s31] =	ssyncadd.s32 $0xFFFFC000  }
0x35: {  	[tilespmem:s20], [sflag:$0x1] =	stream.indirect.gather [hbm4b:s1+s19], $0x80, s9, s19, $0xb8;
	[tilespmem:$0x1A400] =	vst v63  }
0x36: {  	s10 =	rddreg [dreg:$0xa]  }
0x37: {  	[hbm4b:s10+s3] =	stream.linear.scatter [tilespmem:s23], [sflag:$0x8], $0x4000, $0x38;
	[tilespmem:$0x1A400] =	vst v63  }
0x38: {  	_ =	swait.ge [sflag:s0], $0x4000  }
0x39: {  	[sflag:s0] =	ssyncset.done $0x0  }
0x3a: {  	[sflag:s0] =	ssyncadd.s32 $0xFFFFC000  }
0x3b: {  	_ =	swait.ge [sflag:s22], $0x4000  }
0x3c: {  	[sflag:s22] =	ssyncset.done $0x0  }
0x3d: {  	s11 =	simm.s32 $0x300;
	[sflag:s22] =	ssyncadd.s32 $0xFFFFC000  }
0x3e: {  	[tilespmem:s21], [sflag:$0x2] =	stream.indirect.gather [hbm4b:s1+s19], $0x80, s11, s19, $0xb8;
	[tilespmem:$0x1A400] =	vst v63  }
0x3f: {  	s8 =	rddreg [dreg:$0xb]  }
0x40: {  	[hbm4b:s8+s3] =	stream.linear.scatter [tilespmem:s26], [sflag:$0x9], $0x4000, $0x38;
	[tilespmem:$0x1A400] =	vst v63  }
0x41: {  	_ =	swait.ge [sflag:s29], $0x4000  }
0x42: {  	[sflag:s29] =	ssyncset.done $0x0  }
0x43: {  	[sflag:s29] =	ssyncadd.s32 $0xFFFFC000  }
0x44: {  	_ =	swait.ge [sflag:s2], $0x4000  }
0x45: {  	[sflag:s2] =	ssyncset.done $0x0  }
0x46: {  	s9 =	simm.s32 $0x380;
	[sflag:s2] =	ssyncadd.s32 $0xFFFFC000  }
0x47: {  	[tilespmem:s23], [sflag:$0x3] =	stream.indirect.gather [hbm4b:s1+s19], $0x80, s9, s19, $0xb8;
	[tilespmem:$0x1A400] =	vst v63  }
0x48: {  	s10 =	rddreg [dreg:$0xc]  }
0x49: {  	[hbm4b:s10+s3] =	stream.linear.scatter [tilespmem:s30], [sflag:$0xA], $0x4000, $0x38;
	[tilespmem:$0x1A400] =	vst v63  }
0x4a: {  	_ =	swait.ge [sflag:s25], $0x4000  }
0x4b: {  	[sflag:s25] =	ssyncset.done $0x0  }
0x4c: {  	[sflag:s25] =	ssyncadd.s32 $0xFFFFC000  }
0x4d: {  	_ =	swait.ge [sflag:s24], $0x4000  }
0x4e: {  	[sflag:s24] =	ssyncset.done $0x0  }
0x4f: {  	s11 =	simm.s32 $0x400;
	[sflag:s24] =	ssyncadd.s32 $0xFFFFC000  }
0x50: {  	[tilespmem:s26], [sflag:$0x4] =	stream.indirect.gather [hbm4b:s1+s19], $0x80, s11, s19, $0xb8;
	[tilespmem:$0x1A400] =	vst v63  }
0x51: {  	s8 =	sadd.s32 $0x0, s17  }
0x52: {  	[hbm4b:s8+s3] =	stream.linear.scatter [tilespmem:s20], [sflag:$0x6], $0x4000, $0x38;
	[tilespmem:$0x1A400] =	vst v63  }
0x53: {  	_ =	swait.ge [sflag:s4], $0x4000  }
0x54: {  	[sflag:s4] =	ssyncset.done $0x0  }
0x55: {  	[sflag:s4] =	ssyncadd.s32 $0xFFFFC000  }
0x56: {  	_ =	swait.ge [sflag:s28], $0x4000  }
0x57: {  	[sflag:s28] =	ssyncset.done $0x0  }
0x58: {  	s9 =	simm.s32 $0x480;
	[sflag:s28] =	ssyncadd.s32 $0xFFFFC000  }
0x59: {  	[tilespmem:s30], [sflag:$0x5] =	stream.indirect.gather [hbm4b:s1+s19], $0x80, s9, s19, $0xb8;
	[tilespmem:$0x1A400] =	vst v63  }
0x5a: {  	s10 =	sadd.s32 $0x0, s16  }
0x5b: {  	[hbm4b:s10+s3] =	stream.linear.scatter [tilespmem:s21], [sflag:$0x7], $0x4000, $0x38;
	[tilespmem:$0x1A400] =	vst v63  }
0x5c: {  	_ =	swait.ge [sflag:s5], $0x4000  }
0x5d: {  	[sflag:s5] =	ssyncset.done $0x0  }
0x5e: {  	[sflag:s5] =	ssyncadd.s32 $0xFFFFC000  }
0x5f: {  	_ =	swait.ge [sflag:s31], $0x4000  }
0x60: {  	[sflag:s31] =	ssyncset.done $0x0  }
0x61: {  	s8 =	simm.s32 $0x500;
	s11 =	rddreg [dreg:$0x6];
	[sflag:s31] =	ssyncadd.s32 $0xFFFFC000  }
0x62: {  	[tilespmem:s20], [sflag:$0x1] =	stream.indirect.gather [hbm4b:s1+s19], $0x80, s8, s19, $0xb8;
	[tilespmem:$0x1A400] =	vst v63  }
0x63: {  	s7 =	sadd.s32 $0x0, s11  }
0x64: {  	[hbm4b:s7+s3] =	stream.linear.scatter [tilespmem:s23], [sflag:$0x8], $0x4000, $0x38;
	[tilespmem:$0x1A400] =	vst v63  }
0x65: {  	_ =	swait.ge [sflag:s0], $0x4000  }
0x66: {  	[sflag:s0] =	ssyncset.done $0x0  }
0x67: {  	[sflag:s0] =	ssyncadd.s32 $0xFFFFC000  }
0x68: {  	_ =	swait.ge [sflag:s22], $0x4000  }
0x69: {  	[sflag:s22] =	ssyncset.done $0x0  }
0x6a: {  	s10 =	simm.s32 $0x580;
	s9 =	rddreg [dreg:$0x5];
	[sflag:s22] =	ssyncadd.s32 $0xFFFFC000  }
0x6b: {  	[tilespmem:s21], [sflag:$0x2] =	stream.indirect.gather [hbm4b:s1+s19], $0x80, s10, s19, $0xb8;
	[tilespmem:$0x1A400] =	vst v63  }
0x6c: {  	s7 =	sadd.s32 $0x0, s9  }
0x6d: {  	[hbm4b:s7+s3] =	stream.linear.scatter [tilespmem:s26], [sflag:$0x9], $0x4000, $0x38;
	[tilespmem:$0x1A400] =	vst v63  }
0x6e: {  	_ =	swait.ge [sflag:s29], $0x4000  }
0x6f: {  	[sflag:s29] =	ssyncset.done $0x0  }
0x70: {  	[sflag:s29] =	ssyncadd.s32 $0xFFFFC000  }
0x71: {  	_ =	swait.ge [sflag:s2], $0x4000  }
0x72: {  	[sflag:s2] =	ssyncset.done $0x0  }
0x73: {  	s7 =	simm.s32 $0x600;
	s11 =	rddreg [dreg:$0x4];
	[sflag:s2] =	ssyncadd.s32 $0xFFFFC000  }
0x74: {  	[tilespmem:s23], [sflag:$0x3] =	stream.indirect.gather [hbm4b:s1+s19], $0x80, s7, s19, $0xb8;
	[tilespmem:$0x1A400] =	vst v63  }
0x75: {  	s8 =	sadd.s32 $0x0, s11  }
0x76: {  	[hbm4b:s8+s3] =	stream.linear.scatter [tilespmem:s30], [sflag:$0xA], $0x4000, $0x38;
	[tilespmem:$0x1A400] =	vst v63  }
0x77: {  	_ =	swait.ge [sflag:s25], $0x4000  }
0x78: {  	s8 =	simm.s32 $0x2800;
	[sflag:s25] =	ssyncset.done $0x0  }
.LBB2_2:
0x79: {  	[sflag:s25] =	ssyncadd.s32 $0xFFFFC000  }
0x7a: {  	_ =	swait.ge [sflag:s24], $0x4000  }
0x7b: {  	s7 =	sadd.s32 $0x280, s7;
	[sflag:s24] =	ssyncset.done $0x0  }
0x7c: {  	s9 =	smov.u32 s8;
	s10 =	sadd.s32 $0xFFFFFE00, s7;
	[sflag:s24] =	ssyncadd.s32 $0xFFFFC000  }
0x7d: {  	[tilespmem:s26], [sflag:$0x4] =	stream.indirect.gather [hbm4b:s1+s19], $0x80, s10, s19, $0xb8;
	[tilespmem:$0x1A400] =	vst v63  }
0x7e: {  	s11 =	sadd.s32 s9, s17  }
0x7f: {  	[hbm4b:s11+s3] =	stream.linear.scatter [tilespmem:s20], [sflag:$0x6], $0x4000, $0x38;
	[tilespmem:$0x1A400] =	vst v63  }
0x80: {  	_ =	swait.ge [sflag:s4], $0x4000  }
0x81: {  	[sflag:s4] =	ssyncset.done $0x0  }
0x82: {  	[sflag:s4] =	ssyncadd.s32 $0xFFFFC000  }
0x83: {  	_ =	swait.ge [sflag:s28], $0x4000  }
0x84: {  	[sflag:s28] =	ssyncset.done $0x0  }
0x85: {  	s11 =	sadd.s32 $0xFFFFFE80, s7;
	[sflag:s28] =	ssyncadd.s32 $0xFFFFC000  }
0x86: {  	[tilespmem:s30], [sflag:$0x5] =	stream.indirect.gather [hbm4b:s1+s19], $0x80, s11, s19, $0xb8;
	[tilespmem:$0x1A400] =	vst v63  }
0x87: {  	s11 =	sadd.s32 s9, s16  }
0x88: {  	[hbm4b:s11+s3] =	stream.linear.scatter [tilespmem:s21], [sflag:$0x7], $0x4000, $0x38;
	[tilespmem:$0x1A400] =	vst v63  }
0x89: {  	_ =	swait.ge [sflag:s5], $0x4000  }
0x8a: {  	[sflag:s5] =	ssyncset.done $0x0  }
0x8b: {  	[sflag:s5] =	ssyncadd.s32 $0xFFFFC000  }
0x8c: {  	_ =	swait.ge [sflag:s31], $0x4000  }
0x8d: {  	[sflag:s31] =	ssyncset.done $0x0  }
0x8e: {  	s11 =	sadd.s32 $0xFFFFFF00, s7;
	s10 =	rddreg [dreg:$0x6];
	[sflag:s31] =	ssyncadd.s32 $0xFFFFC000  }
0x8f: {  	[tilespmem:s20], [sflag:$0x1] =	stream.indirect.gather [hbm4b:s1+s19], $0x80, s11, s19, $0xb8;
	[tilespmem:$0x1A400] =	vst v63  }
0x90: {  	s10 =	sadd.s32 s9, s10  }
0x91: {  	[hbm4b:s10+s3] =	stream.linear.scatter [tilespmem:s23], [sflag:$0x8], $0x4000, $0x38;
	[tilespmem:$0x1A400] =	vst v63  }
0x92: {  	_ =	swait.ge [sflag:s0], $0x4000  }
0x93: {  	[sflag:s0] =	ssyncset.done $0x0  }
0x94: {  	[sflag:s0] =	ssyncadd.s32 $0xFFFFC000  }
0x95: {  	_ =	swait.ge [sflag:s22], $0x4000  }
0x96: {  	[sflag:s22] =	ssyncset.done $0x0  }
0x97: {  	s11 =	sadd.s32 $0xFFFFFF80, s7;
	s10 =	rddreg [dreg:$0x5];
	[sflag:s22] =	ssyncadd.s32 $0xFFFFC000  }
0x98: {  	[tilespmem:s21], [sflag:$0x2] =	stream.indirect.gather [hbm4b:s1+s19], $0x80, s11, s19, $0xb8;
	[tilespmem:$0x1A400] =	vst v63  }
0x99: {  	s10 =	sadd.s32 s9, s10  }
0x9a: {  	[hbm4b:s10+s3] =	stream.linear.scatter [tilespmem:s26], [sflag:$0x9], $0x4000, $0x38;
	[tilespmem:$0x1A400] =	vst v63  }
0x9b: {  	_ =	swait.ge [sflag:s29], $0x4000  }
0x9c: {  	[sflag:s29] =	ssyncset.done $0x0  }
0x9d: {  	[sflag:s29] =	ssyncadd.s32 $0xFFFFC000  }
0x9e: {  	_ =	swait.ge [sflag:s2], $0x4000  }
0x9f: {  	[sflag:s2] =	ssyncset.done $0x0  }
0xa0: {  	p0 =	sne.s32 s8, $0x2A800;
	[sflag:s2] =	ssyncadd.s32 $0xFFFFC000  }
0xa1: {  	[tilespmem:s23], [sflag:$0x3] =	stream.indirect.gather [hbm4b:s1+s19], $0x80, s7, s19, $0xb8;
	[tilespmem:$0x1A400] =	vst v63  }
.Ltmp0:
0xa2: {  	s11 =	rddreg [dreg:$0x4];
	(pc) =	sbr.rel @p0 .LBB2_2-.Ltmp0, $4  }
0xa3: {  	s9 =	sadd.s32 s9, s11  }
0xa4: {  	[hbm4b:s9+s3] =	stream.linear.scatter [tilespmem:s30], [sflag:$0xA], $0x4000, $0x38;
	[tilespmem:$0x1A400] =	vst v63  }
0xa5: {  	_ =	swait.ge [sflag:s25], $0x4000  }
0xa6: {  	s8 =	sadd.s32 $0x2800, s8;
	[sflag:s25] =	ssyncset.done $0x0  }
0xa7: {  	[sflag:s25] =	ssyncadd.s32 $0xFFFFC000  }
0xa8: {  	_ =	swait.ge [sflag:s24], $0x4000  }
0xa9: {  	[sflag:s24] =	ssyncset.done $0x0  }
0xaa: {  	s7 =	simm.s32 $0x3100;
	[sflag:s24] =	ssyncadd.s32 $0xFFFFC000  }
0xab: {  	[tilespmem:s26], [sflag:$0x4] =	stream.indirect.gather [hbm4b:s1+s19], $0x80, s7, s19, $0xb8;
	[tilespmem:$0x1A400] =	vst v63  }
0xac: {  	s9 =	rddreg [dreg:$0xd]  }
0xad: {  	[hbm4b:s9+s3] =	stream.linear.scatter [tilespmem:s20], [sflag:$0x6], $0x4000, $0x38;
	[tilespmem:$0x1A400] =	vst v63  }
0xae: {  	_ =	swait.ge [sflag:s4], $0x4000  }
0xaf: {  	[sflag:s4] =	ssyncset.done $0x0  }
0xb0: {  	[sflag:s4] =	ssyncadd.s32 $0xFFFFC000  }
0xb1: {  	_ =	swait.ge [sflag:s28], $0x4000  }
0xb2: {  	[sflag:s28] =	ssyncset.done $0x0  }
0xb3: {  	s10 =	simm.s32 $0x3180;
	[sflag:s28] =	ssyncadd.s32 $0xFFFFC000  }
0xb4: {  	[tilespmem:s30], [sflag:$0x5] =	stream.indirect.gather [hbm4b:s1+s19], $0x80, s10, s19, $0xb8;
	[tilespmem:$0x1A400] =	vst v63  }
0xb5: {  	s11 =	rddreg [dreg:$0xe]  }
0xb6: {  	[hbm4b:s11+s3] =	stream.linear.scatter [tilespmem:s21], [sflag:$0x7], $0x4000, $0x38;
	[tilespmem:$0x1A400] =	vst v63  }
0xb7: {  	_ =	swait.ge [sflag:s5], $0x4000  }
0xb8: {  	[sflag:s5] =	ssyncset.done $0x0  }
0xb9: {  	[sflag:s5] =	ssyncadd.s32 $0xFFFFC000  }
0xba: {  	_ =	swait.ge [sflag:s31], $0x4000  }
0xbb: {  	[sflag:s31] =	ssyncset.done $0x0  }
0xbc: {  	[sflag:s31] =	ssyncadd.s32 $0xFFFFC000  }
0xbd: {  	[hbm4b:s12+s3] =	stream.linear.scatter [tilespmem:s23], [sflag:$0x8], $0x4000, $0x38;
	[tilespmem:$0x1A400] =	vst v63  }
0xbe: {  	_ =	swait.ge [sflag:s0], $0x4000  }
0xbf: {  	[sflag:s0] =	ssyncset.done $0x0  }
0xc0: {  	[sflag:s0] =	ssyncadd.s32 $0xFFFFC000  }
0xc1: {  	_ =	swait.ge [sflag:s22], $0x4000  }
0xc2: {  	[sflag:s22] =	ssyncset.done $0x0  }
0xc3: {  	[sflag:s22] =	ssyncadd.s32 $0xFFFFC000  }
0xc4: {  	[hbm4b:s13+s3] =	stream.linear.scatter [tilespmem:s26], [sflag:$0x9], $0x4000, $0x38;
	[tilespmem:$0x1A400] =	vst v63  }
0xc5: {  	_ =	swait.ge [sflag:s29], $0x4000  }
0xc6: {  	[sflag:s29] =	ssyncset.done $0x0  }
0xc7: {  	[sflag:s29] =	ssyncadd.s32 $0xFFFFC000  }
0xc8: {  	_ =	swait.ge [sflag:s2], $0x4000  }
0xc9: {  	[sflag:s2] =	ssyncset.done $0x0  }
0xca: {  	[sflag:s2] =	ssyncadd.s32 $0xFFFFC000  }
0xcb: {  	[hbm4b:s14+s3] =	stream.linear.scatter [tilespmem:s30], [sflag:$0xA], $0x4000, $0x38;
	[tilespmem:$0x1A400] =	vst v63  }
0xcc: {  	_ =	swait.ge [sflag:s25], $0x4000  }
0xcd: {  	[sflag:s25] =	ssyncset.done $0x0  }
0xce: {  	s6 =	sadd.s32 $0x1, s6;
	[sflag:s25] =	ssyncadd.s32 $0xFFFFC000  }
0xcf: {  	p0 =	sne.s32 s6, s15;
	_ =	swait.ge [sflag:s4], $0x4000  }
.Ltmp1:
0xd0: {  	[sflag:s4] =	ssyncset.done $0x0;
	(pc) =	sbr.rel @p0 .LBB2_1-.Ltmp1, $4  }
0xd1: {  	[sflag:s4] =	ssyncadd.s32 $0xFFFFC000  }
0xd2: {  	_ =	swait.ge [sflag:s5], $0x4000  }
0xd3: {  	[sflag:s5] =	ssyncset.done $0x0  }
0xd4: {  	[sflag:s5] =	ssyncadd.s32 $0xFFFFC000  }
0xd5: {  	_ =	sfence.sel $0x180000  }
0xd6: {  	[bflag:$0x0] =	sbarrier.arrive $0xFFFF  }
0xd7: {  	_ =	strace $0x90000047  }
0xd8: {  	s0 =	stileid.u32;
	[bflag:$0x2] =	sbarrier.arrive $0xFFFF  }
0xd9: {  	p0 =	sne.s32 s0, $0x0;
	s0 =	rddreg [dreg:$0x3]  }
0xda: {  	s0 =	sadd.s32 @!p0 $0x100000, s0  }
0xdb: {  	[sflag:s0] =	ssyncadd.tile.s32 @!p0 $0x1;
	_ =	shalt  }
.Lfunc_end2:
_tile_overlayer_lowered:
.L_overlay_start_2:
0xdc: {  	(tag) =	ssettag $0x2  }
0xdd: {  	s0 =	rddreg [dreg:$0x0];
	s2 =	stileid.u32  }
0xde: {  	s1 =	rddreg [dreg:$0x1];
	p0 =	sne.s32 s2, $0x0  }
0xdf: {  	s3 =	rddreg [dreg:$0x2];
	[bflag:$0x3] =	sbarrier.arrive $0xFFFF;
	s2 =	simm.s32 @!p0 $0x1C0B  }
0xe0: {  	[timem:s3], [sflag:s2] =	dma.local @!p0 [hbm:s0], s1  }
0xe1: {  	s0 =	simm.s32 @!p0 $0xB  }
0xe2: {  	_ =	swait.ge @!p0 [sflag:s0], s1  }
0xe3: {  	s1 =	ssub.s32 @!p0 $0x0, s1;
	[sflag:s0] =	ssyncset.done @!p0 $0x0  }
0xe4: {  	[sflag:s0] =	ssyncadd.s32 @!p0 s1  }
0xe5: {  	[bflag:$0x3] =	sbarrier.arrive $0xFFFF  }
0xe6: {  	_ =	shalt  }

</sc_bundles>
